<compile_context>
chip_gen: v7x
topology: tpu7x:2x2x1
jax: 0.10.2.dev20260603
libtpu: 0.0.44.dev20260713+nightly
codegen_flags: <defaults>
</compile_context>

<pallas_src>
import functools

import jax
import jax.numpy as jnp
from jax import lax
from jax.experimental import pallas as pl
from jax.experimental.pallas import tpu as pltpu
from jax.experimental.pallas import tpu_sc as plsc

N, E, D, H, G = 10000, 320000, 128, 64, 64

NC, NS = 2, 16
NW = NC * NS
CH = 128
EP_W = -(-E // (NW * 2 * CH)) * 2 * CH
NCHUNK = EP_W // CH
E_PAD = NW * EP_W
ZR = -(-(N + 1) // (NS * 8)) * 8
N_ACC = ZR * NS


def _sc_body(p_hbm, src_hbm, dst_hbm, zeros_hbm, out_hbm,
             src_v, dst_v, rows0_v, rows1_v, acc_sh, sem0, sem1):
    c = lax.axis_index("c")
    s = lax.axis_index("s")
    wid = c * NS + s

    pltpu.sync_copy(src_hbm.at[wid], src_v)
    pltpu.sync_copy(dst_hbm.at[wid], dst_v)

    pltpu.sync_copy(zeros_hbm, acc_sh.at[pl.ds(s * ZR, ZR)])
    plsc.subcore_barrier()

    gather0 = pltpu.async_copy(p_hbm.at[src_v.at[0]], rows0_v, sem0)

    def pair(j2, carry):
        c0 = 2 * j2
        pltpu.async_copy(p_hbm.at[src_v.at[c0 + 1]], rows1_v, sem1)
        pltpu.make_async_copy(p_hbm.at[src_v.at[c0]], rows0_v, sem0).wait()
        pltpu.sync_copy(rows0_v, acc_sh.at[dst_v.at[c0]], add=True)

        @pl.when(j2 < NCHUNK // 2 - 1)
        def _():
            pltpu.async_copy(p_hbm.at[src_v.at[c0 + 2]], rows0_v, sem0)

        pltpu.make_async_copy(p_hbm.at[src_v.at[c0 + 1]], rows1_v, sem1).wait()
        pltpu.sync_copy(rows1_v, acc_sh.at[dst_v.at[c0 + 1]], add=True)
        return carry

    lax.fori_loop(0, NCHUNK // 2, pair, 0)
    plsc.subcore_barrier()
    pltpu.sync_copy(acc_sh.at[pl.ds(s * ZR, ZR)],
                    out_hbm.at[pl.ds(c * N_ACC + s * ZR, ZR)])


@functools.cache
def _sc_segment_sum():
    return pl.kernel(
        _sc_body,
        out_type=jax.ShapeDtypeStruct((NC * N_ACC, H), jnp.float32),
        mesh=plsc.VectorSubcoreMesh(core_axis_name="c", subcore_axis_name="s",
                                    num_cores=NC, num_subcores=NS),
        scratch_types=[
            pltpu.VMEM((NCHUNK, CH), jnp.int32),
            pltpu.VMEM((NCHUNK, CH), jnp.int32),
            pltpu.VMEM((CH, H), jnp.float32),
            pltpu.VMEM((CH, H), jnp.float32),
            pltpu.VMEM_SHARED((N_ACC, H), jnp.float32),
            pltpu.SemaphoreType.DMA,
            pltpu.SemaphoreType.DMA,
        ],
        compiler_params=pltpu.CompilerParams(use_tc_tiling_on_sc=False),
    )


def _pre_body(x_ref, wr_ref, wn_ref, b_ref, p_ref, r_ref):
    x = x_ref[...]
    p_ref[...] = jnp.dot(x, wn_ref[...], preferred_element_type=jnp.float32)
    r_ref[...] = (jnp.dot(x, wr_ref[...], preferred_element_type=jnp.float32)
                  + b_ref[...])


def _mid_body(r_ref, acc_ref, wr_ref, wn_ref, b_ref, p_ref, rout_ref):
    h = jnp.maximum(
        r_ref[...] + acc_ref[0:N, :] + acc_ref[N_ACC:N_ACC + N, :], 0.0)
    p_ref[...] = jnp.dot(h, wn_ref[...], preferred_element_type=jnp.float32)
    rout_ref[...] = (jnp.dot(h, wr_ref[...], preferred_element_type=jnp.float32)
                     + b_ref[...])


def _final_body(r_ref, acc_ref, batch_ref, wh1_ref, bh1_ref, wh2_ref, bh2_ref,
                out_ref):
    h = jnp.maximum(
        r_ref[...] + acc_ref[0:N, :] + acc_ref[N_ACC:N_ACC + N, :], 0.0)
    gid = lax.broadcasted_iota(jnp.int32, (G, N), 0)
    m = (gid == batch_ref[...]).astype(jnp.float32)
    sums = jnp.dot(m, h, preferred_element_type=jnp.float32)
    cnt = jnp.sum(m, axis=1, keepdims=True)
    pooled = sums / jnp.maximum(cnt, 1.0)
    z = jnp.maximum(
        jnp.dot(pooled, wh1_ref[...], preferred_element_type=jnp.float32)
        + bh1_ref[...], 0.0)
    out_ref[...] = (jnp.dot(z, wh2_ref[...], preferred_element_type=jnp.float32)
                    + bh2_ref[...])


def _tc_call(body, out_shapes):
    return pl.pallas_call(body, out_shape=out_shapes)


def kernel(x, edge_index, batch, W_root0, W_rel0, b0, W_root1, W_rel1, b1,
           W_root2, W_rel2, b2, Wh1, bh1, Wh2, bh2):
    f32 = jnp.float32
    src = jnp.concatenate(
        [edge_index[0], jnp.zeros((E_PAD - E,), jnp.int32)]).reshape(
            NW, NCHUNK, CH)
    dst = jnp.concatenate(
        [edge_index[1], jnp.full((E_PAD - E,), N, jnp.int32)]).reshape(
            NW, NCHUNK, CH)
    zeros_tile = jnp.zeros((ZR, H), f32)
    batch_row = batch.astype(jnp.int32).reshape(1, N)

    nh = jax.ShapeDtypeStruct((N, H), f32)
    pre = _tc_call(_pre_body, (nh, nh))
    mid = _tc_call(_mid_body, (nh, nh))
    final = _tc_call(_final_body, jax.ShapeDtypeStruct((G, 128), f32))

    sc_seg = _sc_segment_sum()
    p0, r0 = pre(x, W_root0, W_rel0, b0.reshape(1, H))
    acc0 = sc_seg(p0, src, dst, zeros_tile)
    p1, r1 = mid(r0, acc0, W_root1, W_rel1, b1.reshape(1, H))
    acc1 = sc_seg(p1, src, dst, zeros_tile)
    p2, r2 = mid(r1, acc1, W_root2, W_rel2, b2.reshape(1, H))
    acc2 = sc_seg(p2, src, dst, zeros_tile)

    wh2_pad = jnp.zeros((H, 128), f32).at[:, :2].set(Wh2)
    bh2_pad = jnp.zeros((1, 128), f32).at[0, :2].set(bh2)
    out_pad = final(r2, acc2, batch_row, Wh1, bh1.reshape(1, H),
                    wh2_pad, bh2_pad)
    return out_pad[:, :2]

# --- scband reference (transcript-rebuilt; emitter-appended) ---
"""Pipeline reference for scband-project-risk-gnn-31842887533309 (READ-ONLY COPY).

The authoritative reference and input builder live on the scoring server;
editing this copy changes nothing except your own understanding.
"""

import jax, jax.numpy as jnp
import numpy as np

N, E, D, H, G = 10000, 320000, 128, 64, 64

def setup_inputs(seed: int = 0):
    key = jax.random.key(seed)
    ks = jax.random.split(key, 16)
    x = jax.random.normal(ks[0], (N, D), dtype=jnp.float32)
    edge_index = jax.random.randint(ks[1], (2, E), 0, N, dtype=jnp.int32)
    batch = jnp.sort(jax.random.randint(ks[2], (N,), 0, G, dtype=jnp.int32))
    def lin(k, fan_in, shape):
        return jax.random.normal(k, shape, dtype=jnp.float32) / np.sqrt(fan_in)
    return {
        'x': x, 'edge_index': edge_index, 'batch': batch,
        'W_root0': lin(ks[3], D, (D, H)), 'W_rel0': lin(ks[4], D, (D, H)), 'b0': jnp.zeros((H,), jnp.float32),
        'W_root1': lin(ks[5], H, (H, H)), 'W_rel1': lin(ks[6], H, (H, H)), 'b1': jnp.zeros((H,), jnp.float32),
        'W_root2': lin(ks[7], H, (H, H)), 'W_rel2': lin(ks[8], H, (H, H)), 'b2': jnp.zeros((H,), jnp.float32),
        'Wh1': lin(ks[9], H, (H, H)), 'bh1': jnp.zeros((H,), jnp.float32),
        'Wh2': lin(ks[10], H, (H, 2)), 'bh2': jnp.zeros((2,), jnp.float32),
    }

def reference(x, edge_index, batch, W_root0, W_rel0, b0, W_root1, W_rel1, b1, W_root2, W_rel2, b2, Wh1, bh1, Wh2, bh2):
    # PyG GraphConv: x_i' = W_root x_i + W_rel * sum_{j in N(i)} x_j + b  (aggr='add')
    src, dst = edge_index[0], edge_index[1]
    def conv(h, Wr, Wn, b):
        agg = jax.ops.segment_sum(h[src], dst, num_segments=h.shape[0])
        return h @ Wr + agg @ Wn + b
    h = jax.nn.relu(conv(x, W_root0, W_rel0, b0))
    h = jax.nn.relu(conv(h, W_root1, W_rel1, b1))
    h = jax.nn.relu(conv(h, W_root2, W_rel2, b2))
    # global mean pool over graphs
    sums = jax.ops.segment_sum(h, batch, num_segments=G)
    cnt = jax.ops.segment_sum(jnp.ones((h.shape[0], 1), h.dtype), batch, num_segments=G)
    pooled = sums / jnp.maximum(cnt, 1.0)
    # MLP head (dropout p=0.0 -> identity)
    z = jax.nn.relu(pooled @ Wh1 + bh1)
    return z @ Wh2 + bh2

if __name__ == "__main__":
    import jax
    _d = setup_inputs()
    print(jax.jit(kernel)(*tuple(_d.values())))

</pallas_src>

<mosaic_0001>
#map = affine_map<(d0, d1) -> (0, 0)>
#map1 = affine_map<(d0, d1) -> (0, 0, 0)>
module attributes {stable_mosaic.version = 14 : i64} {
  func.func @_sc_body(%arg0: i32, %arg1: i32, %arg2: memref<10000x64xf32, #tpu.memory_space<hbm>>, %arg3: memref<32x80x128xi32, #tpu.memory_space<hbm>>, %arg4: memref<32x80x128xi32, #tpu.memory_space<hbm>>, %arg5: memref<632x64xf32, #tpu.memory_space<hbm>>, %arg6: memref<20224x64xf32, #tpu.memory_space<hbm>>, %arg7: memref<80x128xi32, #tpu.memory_space<vmem>>, %arg8: memref<80x128xi32, #tpu.memory_space<vmem>>, %arg9: memref<128x64xf32, #tpu.memory_space<vmem>>, %arg10: memref<128x64xf32, #tpu.memory_space<vmem>>, %arg11: memref<10112x64xf32, #tpu.memory_space<vmem_shared>>, %arg12: memref<!tpu.dma_semaphore, #tpu.memory_space<semaphore_mem>>, %arg13: memref<!tpu.dma_semaphore, #tpu.memory_space<semaphore_mem>>) attributes {dimension_semantics = [#tpu.dimension_semantics<core_parallel>, #tpu.dimension_semantics<subcore_parallel>], iteration_bounds = array<i64: 2, 16>, scalar_prefetch = 0 : i64, scratch_operands = 7 : i64, tpu.core_type = #tpu.core_type<sc_vector_subcore>, window_params = [{transform_indices = #map}, {transform_indices = #map1}, {transform_indices = #map1}, {transform_indices = #map}, {transform_indices = #map}]} {
    %mul3A = arith.constant 16 : i32
    %mul3A_0 = arith.muli %arg0, %mul3A : i32
    %add3A = arith.addi %mul3A_0, %arg1 : i32
    "tpu.region"() ({
      %run_scoped3A = tpu.sem_alloc : memref<!tpu.dma_semaphore, #tpu.memory_space<semaphore_mem>>
      %dma_start3A_22 = arith.constant 0 : i32
      %dma_start3A_23 = arith.constant 0 : i32
      %dma_start3A_24 = tpu.memref_slice %arg3[%add3A, %dma_start3A_22, %dma_start3A_23] : memref<32x80x128xi32, #tpu.memory_space<hbm>> -> memref<1x80x128xi32, #tpu.memory_space<hbm>>
      %dma_start3A_25 = tpu.memref_squeeze %dma_start3A_24 : memref<1x80x128xi32, #tpu.memory_space<hbm>> -> memref<80x128xi32, #tpu.memory_space<hbm>>
      %dma_start3A_26 = arith.constant 0 : i32
      %dma_start3A_27 = arith.constant 0 : i32
      %dma_start3A_28 = tpu.memref_slice %arg3[%add3A, %dma_start3A_26, %dma_start3A_27] : memref<32x80x128xi32, #tpu.memory_space<hbm>> -> memref<1x80x128xi32, #tpu.memory_space<hbm>>
      %dma_start3A_29 = tpu.memref_squeeze %dma_start3A_28 : memref<1x80x128xi32, #tpu.memory_space<hbm>> -> memref<80x128xi32, #tpu.memory_space<hbm>>
      tpu.enqueue_dma source(%dma_start3A_29 : memref<80x128xi32, #tpu.memory_space<hbm>>) target(%arg7 : memref<80x128xi32, #tpu.memory_space<vmem>>) target_semaphore(%run_scoped3A : memref<!tpu.dma_semaphore, #tpu.memory_space<semaphore_mem>>)
      %dma_wait3A = arith.constant 0 : i32
      %dma_wait3A_30 = arith.constant 0 : i32
      %dma_wait3A_31 = tpu.memref_slice %arg3[%add3A, %dma_wait3A, %dma_wait3A_30] : memref<32x80x128xi32, #tpu.memory_space<hbm>> -> memref<1x80x128xi32, #tpu.memory_space<hbm>>
      %dma_wait3A_32 = tpu.memref_squeeze %dma_wait3A_31 : memref<1x80x128xi32, #tpu.memory_space<hbm>> -> memref<80x128xi32, #tpu.memory_space<hbm>>
      %dma_wait3A_33 = arith.constant 0 : i32
      %dma_wait3A_34 = arith.constant 0 : i32
      %dma_wait3A_35 = tpu.memref_slice %arg3[%add3A, %dma_wait3A_33, %dma_wait3A_34] : memref<32x80x128xi32, #tpu.memory_space<hbm>> -> memref<1x80x128xi32, #tpu.memory_space<hbm>>
      %dma_wait3A_36 = tpu.memref_squeeze %dma_wait3A_35 : memref<1x80x128xi32, #tpu.memory_space<hbm>> -> memref<80x128xi32, #tpu.memory_space<hbm>>
      tpu.wait_dma2 semaphore(%run_scoped3A : memref<!tpu.dma_semaphore, #tpu.memory_space<semaphore_mem>>) src(%dma_wait3A_36 : memref<80x128xi32, #tpu.memory_space<hbm>>) dst(%arg7 : memref<80x128xi32, #tpu.memory_space<vmem>>)
      tpu.yield
    }) : () -> ()
    "tpu.region"() ({
      %run_scoped3A = tpu.sem_alloc : memref<!tpu.dma_semaphore, #tpu.memory_space<semaphore_mem>>
      %dma_start3A_22 = arith.constant 0 : i32
      %dma_start3A_23 = arith.constant 0 : i32
      %dma_start3A_24 = tpu.memref_slice %arg4[%add3A, %dma_start3A_22, %dma_start3A_23] : memref<32x80x128xi32, #tpu.memory_space<hbm>> -> memref<1x80x128xi32, #tpu.memory_space<hbm>>
      %dma_start3A_25 = tpu.memref_squeeze %dma_start3A_24 : memref<1x80x128xi32, #tpu.memory_space<hbm>> -> memref<80x128xi32, #tpu.memory_space<hbm>>
      %dma_start3A_26 = arith.constant 0 : i32
      %dma_start3A_27 = arith.constant 0 : i32
      %dma_start3A_28 = tpu.memref_slice %arg4[%add3A, %dma_start3A_26, %dma_start3A_27] : memref<32x80x128xi32, #tpu.memory_space<hbm>> -> memref<1x80x128xi32, #tpu.memory_space<hbm>>
      %dma_start3A_29 = tpu.memref_squeeze %dma_start3A_28 : memref<1x80x128xi32, #tpu.memory_space<hbm>> -> memref<80x128xi32, #tpu.memory_space<hbm>>
      tpu.enqueue_dma source(%dma_start3A_29 : memref<80x128xi32, #tpu.memory_space<hbm>>) target(%arg8 : memref<80x128xi32, #tpu.memory_space<vmem>>) target_semaphore(%run_scoped3A : memref<!tpu.dma_semaphore, #tpu.memory_space<semaphore_mem>>)
      %dma_wait3A = arith.constant 0 : i32
      %dma_wait3A_30 = arith.constant 0 : i32
      %dma_wait3A_31 = tpu.memref_slice %arg4[%add3A, %dma_wait3A, %dma_wait3A_30] : memref<32x80x128xi32, #tpu.memory_space<hbm>> -> memref<1x80x128xi32, #tpu.memory_space<hbm>>
      %dma_wait3A_32 = tpu.memref_squeeze %dma_wait3A_31 : memref<1x80x128xi32, #tpu.memory_space<hbm>> -> memref<80x128xi32, #tpu.memory_space<hbm>>
      %dma_wait3A_33 = arith.constant 0 : i32
      %dma_wait3A_34 = arith.constant 0 : i32
      %dma_wait3A_35 = tpu.memref_slice %arg4[%add3A, %dma_wait3A_33, %dma_wait3A_34] : memref<32x80x128xi32, #tpu.memory_space<hbm>> -> memref<1x80x128xi32, #tpu.memory_space<hbm>>
      %dma_wait3A_36 = tpu.memref_squeeze %dma_wait3A_35 : memref<1x80x128xi32, #tpu.memory_space<hbm>> -> memref<80x128xi32, #tpu.memory_space<hbm>>
      tpu.wait_dma2 semaphore(%run_scoped3A : memref<!tpu.dma_semaphore, #tpu.memory_space<semaphore_mem>>) src(%dma_wait3A_36 : memref<80x128xi32, #tpu.memory_space<hbm>>) dst(%arg8 : memref<80x128xi32, #tpu.memory_space<vmem>>)
      tpu.yield
    }) : () -> ()
    %mul3A_1 = arith.constant 632 : i32
    %mul3A_2 = arith.muli %arg1, %mul3A_1 : i32
    "tpu.region"() ({
      %run_scoped3A = tpu.sem_alloc : memref<!tpu.dma_semaphore, #tpu.memory_space<semaphore_mem>>
      %dma_start3A_22 = arith.constant 0 : i32
      %dma_start3A_23 = tpu.memref_slice %arg11[%mul3A_2, %dma_start3A_22] : memref<10112x64xf32, #tpu.memory_space<vmem_shared>> -> memref<632x64xf32, #tpu.memory_space<vmem_shared>>
      tpu.enqueue_dma source(%arg5 : memref<632x64xf32, #tpu.memory_space<hbm>>) target(%dma_start3A_23 : memref<632x64xf32, #tpu.memory_space<vmem_shared>>) target_semaphore(%run_scoped3A : memref<!tpu.dma_semaphore, #tpu.memory_space<semaphore_mem>>)
      %dma_wait3A = arith.constant 0 : i32
      %dma_wait3A_24 = tpu.memref_slice %arg11[%mul3A_2, %dma_wait3A] : memref<10112x64xf32, #tpu.memory_space<vmem_shared>> -> memref<632x64xf32, #tpu.memory_space<vmem_shared>>
      tpu.wait_dma2 semaphore(%run_scoped3A : memref<!tpu.dma_semaphore, #tpu.memory_space<semaphore_mem>>) src(%arg5 : memref<632x64xf32, #tpu.memory_space<hbm>>) dst(%dma_wait3A_24 : memref<632x64xf32, #tpu.memory_space<vmem_shared>>)
      tpu.yield
    }) : () -> ()
    %barrier3A = arith.constant 0 : index
    tpu.barrier barrier_id(%barrier3A)
    %dma_start3A = arith.constant 0 : i32
    %dma_start3A_3 = arith.constant 0 : i32
    %dma_start3A_4 = tpu.memref_slice %arg7[%dma_start3A, %dma_start3A_3] : memref<80x128xi32, #tpu.memory_space<vmem>> -> memref<1x128xi32, #tpu.memory_space<vmem>>
    %dma_start3A_5 = tpu.memref_squeeze %dma_start3A_4 : memref<1x128xi32, #tpu.memory_space<vmem>> -> memref<128xi32, #tpu.memory_space<vmem>>
    %dma_start3A_6 = arith.constant 0 : i32
    %dma_start3A_7 = arith.constant 0 : i32
    %dma_start3A_8 = tpu.memref_slice %arg2[%dma_start3A_6, %dma_start3A_7] : memref<10000x64xf32, #tpu.memory_space<hbm>> -> memref<10000x64xf32, #tpu.memory_space<hbm>>
    tpu.enqueue_indirect_dma source(%dma_start3A_8 : memref<10000x64xf32, #tpu.memory_space<hbm>>) target(%arg9 : memref<128x64xf32, #tpu.memory_space<vmem>>) offsets(%dma_start3A_5 : memref<128xi32, #tpu.memory_space<vmem>>) semaphore(%arg12 : memref<!tpu.dma_semaphore, #tpu.memory_space<semaphore_mem>>)
    %scan3A = arith.constant 0 : i32
    %scan3A_9 = arith.constant 0 : i32
    %scan3A_10 = arith.constant 40 : i32
    %scan3A_11 = arith.addi %scan3A_9, %scan3A_10 : i32
    %scan3A_12 = arith.constant 1 : i32
    scf.for %scan3A_22 = %scan3A_9 to %scan3A_11 step %scan3A_12  : i32 {
      %mul3A_23 = arith.constant 2 : i32
      %mul3A_24 = arith.muli %mul3A_23, %scan3A_22 : i32
      %add3A_25 = arith.constant 1 : i32
      %add3A_26 = arith.addi %mul3A_24, %add3A_25 : i32
      %dma_start3A_27 = arith.constant 0 : i32
      %dma_start3A_28 = tpu.memref_slice %arg7[%add3A_26, %dma_start3A_27] : memref<80x128xi32, #tpu.memory_space<vmem>> -> memref<1x128xi32, #tpu.memory_space<vmem>>
      %dma_start3A_29 = tpu.memref_squeeze %dma_start3A_28 : memref<1x128xi32, #tpu.memory_space<vmem>> -> memref<128xi32, #tpu.memory_space<vmem>>
      %dma_start3A_30 = arith.constant 0 : i32
      %dma_start3A_31 = arith.constant 0 : i32
      %dma_start3A_32 = tpu.memref_slice %arg2[%dma_start3A_30, %dma_start3A_31] : memref<10000x64xf32, #tpu.memory_space<hbm>> -> memref<10000x64xf32, #tpu.memory_space<hbm>>
      tpu.enqueue_indirect_dma source(%dma_start3A_32 : memref<10000x64xf32, #tpu.memory_space<hbm>>) target(%arg10 : memref<128x64xf32, #tpu.memory_space<vmem>>) offsets(%dma_start3A_29 : memref<128xi32, #tpu.memory_space<vmem>>) semaphore(%arg13 : memref<!tpu.dma_semaphore, #tpu.memory_space<semaphore_mem>>)
      %dma_wait3A = arith.constant 0 : i32
      %dma_wait3A_33 = tpu.memref_slice %arg7[%mul3A_24, %dma_wait3A] : memref<80x128xi32, #tpu.memory_space<vmem>> -> memref<1x128xi32, #tpu.memory_space<vmem>>
      %dma_wait3A_34 = tpu.memref_squeeze %dma_wait3A_33 : memref<1x128xi32, #tpu.memory_space<vmem>> -> memref<128xi32, #tpu.memory_space<vmem>>
      %dma_wait3A_35 = arith.constant 0 : i32
      %dma_wait3A_36 = arith.constant 0 : i32
      %dma_wait3A_37 = tpu.memref_slice %arg2[%dma_wait3A_35, %dma_wait3A_36] : memref<10000x64xf32, #tpu.memory_space<hbm>> -> memref<10000x64xf32, #tpu.memory_space<hbm>>
      tpu.wait_indirect_dma semaphore(%arg12 : memref<!tpu.dma_semaphore, #tpu.memory_space<semaphore_mem>>) src(%dma_wait3A_37 : memref<10000x64xf32, #tpu.memory_space<hbm>>) dst(%arg9 : memref<128x64xf32, #tpu.memory_space<vmem>>)
      "tpu.region"() ({
        %run_scoped3A = tpu.sem_alloc : memref<!tpu.dma_semaphore, #tpu.memory_space<semaphore_mem>>
        %dma_start3A_50 = arith.constant 0 : i32
        %dma_start3A_51 = tpu.memref_slice %arg8[%mul3A_24, %dma_start3A_50] : memref<80x128xi32, #tpu.memory_space<vmem>> -> memref<1x128xi32, #tpu.memory_space<vmem>>
        %dma_start3A_52 = tpu.memref_squeeze %dma_start3A_51 : memref<1x128xi32, #tpu.memory_space<vmem>> -> memref<128xi32, #tpu.memory_space<vmem>>
        %dma_start3A_53 = arith.constant 0 : i32
        %dma_start3A_54 = arith.constant 0 : i32
        %dma_start3A_55 = tpu.memref_slice %arg11[%dma_start3A_53, %dma_start3A_54] : memref<10112x64xf32, #tpu.memory_space<vmem_shared>> -> memref<10112x64xf32, #tpu.memory_space<vmem_shared>>
        tpu.enqueue_indirect_dma source(%arg9 : memref<128x64xf32, #tpu.memory_space<vmem>>) target(%dma_start3A_55 : memref<10112x64xf32, #tpu.memory_space<vmem_shared>>) offsets(%dma_start3A_52 : memref<128xi32, #tpu.memory_space<vmem>>) semaphore(%run_scoped3A : memref<!tpu.dma_semaphore, #tpu.memory_space<semaphore_mem>>) {add = true}
        %dma_wait3A_56 = arith.constant 0 : i32
        %dma_wait3A_57 = tpu.memref_slice %arg8[%mul3A_24, %dma_wait3A_56] : memref<80x128xi32, #tpu.memory_space<vmem>> -> memref<1x128xi32, #tpu.memory_space<vmem>>
        %dma_wait3A_58 = tpu.memref_squeeze %dma_wait3A_57 : memref<1x128xi32, #tpu.memory_space<vmem>> -> memref<128xi32, #tpu.memory_space<vmem>>
        %dma_wait3A_59 = arith.constant 0 : i32
        %dma_wait3A_60 = arith.constant 0 : i32
        %dma_wait3A_61 = tpu.memref_slice %arg11[%dma_wait3A_59, %dma_wait3A_60] : memref<10112x64xf32, #tpu.memory_space<vmem_shared>> -> memref<10112x64xf32, #tpu.memory_space<vmem_shared>>
        tpu.wait_indirect_dma semaphore(%run_scoped3A : memref<!tpu.dma_semaphore, #tpu.memory_space<semaphore_mem>>) src(%arg9 : memref<128x64xf32, #tpu.memory_space<vmem>>) dst(%dma_wait3A_61 : memref<10112x64xf32, #tpu.memory_space<vmem_shared>>)
        tpu.yield
      }) : () -> ()
      %lt3A = arith.constant 39 : i32
      %lt3A_38 = arith.cmpi slt, %scan3A_22, %lt3A : i32
      %convert_element_type3A = arith.extui %lt3A_38 : i1 to i32
      %cond3A = arith.constant 0 : i32
      %cond3A_39 = arith.cmpi ne, %convert_element_type3A, %cond3A : i32
      scf.if %cond3A_39 {
        %add3A_50 = arith.constant 2 : i32
        %add3A_51 = arith.addi %mul3A_24, %add3A_50 : i32
        %dma_start3A_52 = arith.constant 0 : i32
        %dma_start3A_53 = tpu.memref_slice %arg7[%add3A_51, %dma_start3A_52] : memref<80x128xi32, #tpu.memory_space<vmem>> -> memref<1x128xi32, #tpu.memory_space<vmem>>
        %dma_start3A_54 = tpu.memref_squeeze %dma_start3A_53 : memref<1x128xi32, #tpu.memory_space<vmem>> -> memref<128xi32, #tpu.memory_space<vmem>>
        %dma_start3A_55 = arith.constant 0 : i32
        %dma_start3A_56 = arith.constant 0 : i32
        %dma_start3A_57 = tpu.memref_slice %arg2[%dma_start3A_55, %dma_start3A_56] : memref<10000x64xf32, #tpu.memory_space<hbm>> -> memref<10000x64xf32, #tpu.memory_space<hbm>>
        tpu.enqueue_indirect_dma source(%dma_start3A_57 : memref<10000x64xf32, #tpu.memory_space<hbm>>) target(%arg9 : memref<128x64xf32, #tpu.memory_space<vmem>>) offsets(%dma_start3A_54 : memref<128xi32, #tpu.memory_space<vmem>>) semaphore(%arg12 : memref<!tpu.dma_semaphore, #tpu.memory_space<semaphore_mem>>)
      } else {
      }
      %add3A_40 = arith.constant 1 : i32
      %add3A_41 = arith.addi %mul3A_24, %add3A_40 : i32
      %dma_wait3A_42 = arith.constant 0 : i32
      %dma_wait3A_43 = tpu.memref_slice %arg7[%add3A_41, %dma_wait3A_42] : memref<80x128xi32, #tpu.memory_space<vmem>> -> memref<1x128xi32, #tpu.memory_space<vmem>>
      %dma_wait3A_44 = tpu.memref_squeeze %dma_wait3A_43 : memref<1x128xi32, #tpu.memory_space<vmem>> -> memref<128xi32, #tpu.memory_space<vmem>>
      %dma_wait3A_45 = arith.constant 0 : i32
      %dma_wait3A_46 = arith.constant 0 : i32
      %dma_wait3A_47 = tpu.memref_slice %arg2[%dma_wait3A_45, %dma_wait3A_46] : memref<10000x64xf32, #tpu.memory_space<hbm>> -> memref<10000x64xf32, #tpu.memory_space<hbm>>
      tpu.wait_indirect_dma semaphore(%arg13 : memref<!tpu.dma_semaphore, #tpu.memory_space<semaphore_mem>>) src(%dma_wait3A_47 : memref<10000x64xf32, #tpu.memory_space<hbm>>) dst(%arg10 : memref<128x64xf32, #tpu.memory_space<vmem>>)
      %add3A_48 = arith.constant 1 : i32
      %add3A_49 = arith.addi %mul3A_24, %add3A_48 : i32
      "tpu.region"() ({
        %run_scoped3A = tpu.sem_alloc : memref<!tpu.dma_semaphore, #tpu.memory_space<semaphore_mem>>
        %dma_start3A_50 = arith.constant 0 : i32
        %dma_start3A_51 = tpu.memref_slice %arg8[%add3A_49, %dma_start3A_50] : memref<80x128xi32, #tpu.memory_space<vmem>> -> memref<1x128xi32, #tpu.memory_space<vmem>>
        %dma_start3A_52 = tpu.memref_squeeze %dma_start3A_51 : memref<1x128xi32, #tpu.memory_space<vmem>> -> memref<128xi32, #tpu.memory_space<vmem>>
        %dma_start3A_53 = arith.constant 0 : i32
        %dma_start3A_54 = arith.constant 0 : i32
        %dma_start3A_55 = tpu.memref_slice %arg11[%dma_start3A_53, %dma_start3A_54] : memref<10112x64xf32, #tpu.memory_space<vmem_shared>> -> memref<10112x64xf32, #tpu.memory_space<vmem_shared>>
        tpu.enqueue_indirect_dma source(%arg10 : memref<128x64xf32, #tpu.memory_space<vmem>>) target(%dma_start3A_55 : memref<10112x64xf32, #tpu.memory_space<vmem_shared>>) offsets(%dma_start3A_52 : memref<128xi32, #tpu.memory_space<vmem>>) semaphore(%run_scoped3A : memref<!tpu.dma_semaphore, #tpu.memory_space<semaphore_mem>>) {add = true}
        %dma_wait3A_56 = arith.constant 0 : i32
        %dma_wait3A_57 = tpu.memref_slice %arg8[%add3A_49, %dma_wait3A_56] : memref<80x128xi32, #tpu.memory_space<vmem>> -> memref<1x128xi32, #tpu.memory_space<vmem>>
        %dma_wait3A_58 = tpu.memref_squeeze %dma_wait3A_57 : memref<1x128xi32, #tpu.memory_space<vmem>> -> memref<128xi32, #tpu.memory_space<vmem>>
        %dma_wait3A_59 = arith.constant 0 : i32
        %dma_wait3A_60 = arith.constant 0 : i32
        %dma_wait3A_61 = tpu.memref_slice %arg11[%dma_wait3A_59, %dma_wait3A_60] : memref<10112x64xf32, #tpu.memory_space<vmem_shared>> -> memref<10112x64xf32, #tpu.memory_space<vmem_shared>>
        tpu.wait_indirect_dma semaphore(%run_scoped3A : memref<!tpu.dma_semaphore, #tpu.memory_space<semaphore_mem>>) src(%arg10 : memref<128x64xf32, #tpu.memory_space<vmem>>) dst(%dma_wait3A_61 : memref<10112x64xf32, #tpu.memory_space<vmem_shared>>)
        tpu.yield
      }) : () -> ()
    }
    %scan3A_13 = arith.constant 40 : i32
    %barrier3A_14 = arith.constant 0 : index
    tpu.barrier barrier_id(%barrier3A_14)
    %mul3A_15 = arith.constant 632 : i32
    %mul3A_16 = arith.muli %arg1, %mul3A_15 : i32
    %mul3A_17 = arith.constant 10112 : i32
    %mul3A_18 = arith.muli %arg0, %mul3A_17 : i32
    %mul3A_19 = arith.constant 632 : i32
    %mul3A_20 = arith.muli %arg1, %mul3A_19 : i32
    %add3A_21 = arith.addi %mul3A_18, %mul3A_20 : i32
    "tpu.region"() ({
      %run_scoped3A = tpu.sem_alloc : memref<!tpu.dma_semaphore, #tpu.memory_space<semaphore_mem>>
      %dma_start3A_22 = arith.constant 0 : i32
      %dma_start3A_23 = tpu.memref_slice %arg6[%add3A_21, %dma_start3A_22] : memref<20224x64xf32, #tpu.memory_space<hbm>> -> memref<632x64xf32, #tpu.memory_space<hbm>>
      %dma_start3A_24 = arith.constant 0 : i32
      %dma_start3A_25 = tpu.memref_slice %arg11[%mul3A_16, %dma_start3A_24] : memref<10112x64xf32, #tpu.memory_space<vmem_shared>> -> memref<632x64xf32, #tpu.memory_space<vmem_shared>>
      tpu.enqueue_dma source(%dma_start3A_25 : memref<632x64xf32, #tpu.memory_space<vmem_shared>>) target(%dma_start3A_23 : memref<632x64xf32, #tpu.memory_space<hbm>>) target_semaphore(%run_scoped3A : memref<!tpu.dma_semaphore, #tpu.memory_space<semaphore_mem>>)
      %dma_wait3A = arith.constant 0 : i32
      %dma_wait3A_26 = tpu.memref_slice %arg6[%add3A_21, %dma_wait3A] : memref<20224x64xf32, #tpu.memory_space<hbm>> -> memref<632x64xf32, #tpu.memory_space<hbm>>
      %dma_wait3A_27 = arith.constant 0 : i32
      %dma_wait3A_28 = tpu.memref_slice %arg11[%mul3A_16, %dma_wait3A_27] : memref<10112x64xf32, #tpu.memory_space<vmem_shared>> -> memref<632x64xf32, #tpu.memory_space<vmem_shared>>
      tpu.wait_dma2 semaphore(%run_scoped3A : memref<!tpu.dma_semaphore, #tpu.memory_space<semaphore_mem>>) src(%dma_wait3A_28 : memref<632x64xf32, #tpu.memory_space<vmem_shared>>) dst(%dma_wait3A_26 : memref<632x64xf32, #tpu.memory_space<hbm>>)
      tpu.yield
    }) : () -> ()
    return
  }
}

#map = affine_map<(d0, d1) -> (0, 0)>
#map1 = affine_map<(d0, d1) -> (0, 0, 0)>
module attributes {stable_mosaic.version = 14 : i64} {
  func.func @_sc_body(%arg0: i32, %arg1: i32, %arg2: memref<10000x64xf32, #tpu.memory_space<hbm>>, %arg3: memref<32x80x128xi32, #tpu.memory_space<hbm>>, %arg4: memref<32x80x128xi32, #tpu.memory_space<hbm>>, %arg5: memref<632x64xf32, #tpu.memory_space<hbm>>, %arg6: memref<20224x64xf32, #tpu.memory_space<hbm>>, %arg7: memref<80x128xi32, #tpu.memory_space<vmem>>, %arg8: memref<80x128xi32, #tpu.memory_space<vmem>>, %arg9: memref<128x64xf32, #tpu.memory_space<vmem>>, %arg10: memref<128x64xf32, #tpu.memory_space<vmem>>, %arg11: memref<10112x64xf32, #tpu.memory_space<vmem_shared>>, %arg12: memref<!tpu.dma_semaphore, #tpu.memory_space<semaphore_mem>>, %arg13: memref<!tpu.dma_semaphore, #tpu.memory_space<semaphore_mem>>) attributes {dimension_semantics = [#tpu.dimension_semantics<core_parallel>, #tpu.dimension_semantics<subcore_parallel>], iteration_bounds = array<i64: 2, 16>, scalar_prefetch = 0 : i64, scratch_operands = 7 : i64, tpu.core_type = #tpu.core_type<sc_vector_subcore>, window_params = [{transform_indices = #map}, {transform_indices = #map1}, {transform_indices = #map1}, {transform_indices = #map}, {transform_indices = #map}]} {
    %mul3A = arith.constant 16 : i32
    %mul3A_0 = arith.muli %arg0, %mul3A : i32
    %add3A = arith.addi %mul3A_0, %arg1 : i32
    "tpu.region"() ({
      %run_scoped3A = tpu.sem_alloc : memref<!tpu.dma_semaphore, #tpu.memory_space<semaphore_mem>>
      %dma_start3A_22 = arith.constant 0 : i32
      %dma_start3A_23 = arith.constant 0 : i32
      %dma_start3A_24 = tpu.memref_slice %arg3[%add3A, %dma_start3A_22, %dma_start3A_23] : memref<32x80x128xi32, #tpu.memory_space<hbm>> -> memref<1x80x128xi32, #tpu.memory_space<hbm>>
      %dma_start3A_25 = tpu.memref_squeeze %dma_start3A_24 : memref<1x80x128xi32, #tpu.memory_space<hbm>> -> memref<80x128xi32, #tpu.memory_space<hbm>>
      %dma_start3A_26 = arith.constant 0 : i32
      %dma_start3A_27 = arith.constant 0 : i32
      %dma_start3A_28 = tpu.memref_slice %arg3[%add3A, %dma_start3A_26, %dma_start3A_27] : memref<32x80x128xi32, #tpu.memory_space<hbm>> -> memref<1x80x128xi32, #tpu.memory_space<hbm>>
      %dma_start3A_29 = tpu.memref_squeeze %dma_start3A_28 : memref<1x80x128xi32, #tpu.memory_space<hbm>> -> memref<80x128xi32, #tpu.memory_space<hbm>>
      tpu.enqueue_dma source(%dma_start3A_29 : memref<80x128xi32, #tpu.memory_space<hbm>>) target(%arg7 : memref<80x128xi32, #tpu.memory_space<vmem>>) target_semaphore(%run_scoped3A : memref<!tpu.dma_semaphore, #tpu.memory_space<semaphore_mem>>)
      %dma_wait3A = arith.constant 0 : i32
      %dma_wait3A_30 = arith.constant 0 : i32
      %dma_wait3A_31 = tpu.memref_slice %arg3[%add3A, %dma_wait3A, %dma_wait3A_30] : memref<32x80x128xi32, #tpu.memory_space<hbm>> -> memref<1x80x128xi32, #tpu.memory_space<hbm>>
      %dma_wait3A_32 = tpu.memref_squeeze %dma_wait3A_31 : memref<1x80x128xi32, #tpu.memory_space<hbm>> -> memref<80x128xi32, #tpu.memory_space<hbm>>
      %dma_wait3A_33 = arith.constant 0 : i32
      %dma_wait3A_34 = arith.constant 0 : i32
      %dma_wait3A_35 = tpu.memref_slice %arg3[%add3A, %dma_wait3A_33, %dma_wait3A_34] : memref<32x80x128xi32, #tpu.memory_space<hbm>> -> memref<1x80x128xi32, #tpu.memory_space<hbm>>
      %dma_wait3A_36 = tpu.memref_squeeze %dma_wait3A_35 : memref<1x80x128xi32, #tpu.memory_space<hbm>> -> memref<80x128xi32, #tpu.memory_space<hbm>>
      tpu.wait_dma2 semaphore(%run_scoped3A : memref<!tpu.dma_semaphore, #tpu.memory_space<semaphore_mem>>) src(%dma_wait3A_36 : memref<80x128xi32, #tpu.memory_space<hbm>>) dst(%arg7 : memref<80x128xi32, #tpu.memory_space<vmem>>)
      tpu.yield
    }) : () -> ()
    "tpu.region"() ({
      %run_scoped3A = tpu.sem_alloc : memref<!tpu.dma_semaphore, #tpu.memory_space<semaphore_mem>>
      %dma_start3A_22 = arith.constant 0 : i32
      %dma_start3A_23 = arith.constant 0 : i32
      %dma_start3A_24 = tpu.memref_slice %arg4[%add3A, %dma_start3A_22, %dma_start3A_23] : memref<32x80x128xi32, #tpu.memory_space<hbm>> -> memref<1x80x128xi32, #tpu.memory_space<hbm>>
      %dma_start3A_25 = tpu.memref_squeeze %dma_start3A_24 : memref<1x80x128xi32, #tpu.memory_space<hbm>> -> memref<80x128xi32, #tpu.memory_space<hbm>>
      %dma_start3A_26 = arith.constant 0 : i32
      %dma_start3A_27 = arith.constant 0 : i32
      %dma_start3A_28 = tpu.memref_slice %arg4[%add3A, %dma_start3A_26, %dma_start3A_27] : memref<32x80x128xi32, #tpu.memory_space<hbm>> -> memref<1x80x128xi32, #tpu.memory_space<hbm>>
      %dma_start3A_29 = tpu.memref_squeeze %dma_start3A_28 : memref<1x80x128xi32, #tpu.memory_space<hbm>> -> memref<80x128xi32, #tpu.memory_space<hbm>>
      tpu.enqueue_dma source(%dma_start3A_29 : memref<80x128xi32, #tpu.memory_space<hbm>>) target(%arg8 : memref<80x128xi32, #tpu.memory_space<vmem>>) target_semaphore(%run_scoped3A : memref<!tpu.dma_semaphore, #tpu.memory_space<semaphore_mem>>)
      %dma_wait3A = arith.constant 0 : i32
      %dma_wait3A_30 = arith.constant 0 : i32
      %dma_wait3A_31 = tpu.memref_slice %arg4[%add3A, %dma_wait3A, %dma_wait3A_30] : memref<32x80x128xi32, #tpu.memory_space<hbm>> -> memref<1x80x128xi32, #tpu.memory_space<hbm>>
      %dma_wait3A_32 = tpu.memref_squeeze %dma_wait3A_31 : memref<1x80x128xi32, #tpu.memory_space<hbm>> -> memref<80x128xi32, #tpu.memory_space<hbm>>
      %dma_wait3A_33 = arith.constant 0 : i32
      %dma_wait3A_34 = arith.constant 0 : i32
      %dma_wait3A_35 = tpu.memref_slice %arg4[%add3A, %dma_wait3A_33, %dma_wait3A_34] : memref<32x80x128xi32, #tpu.memory_space<hbm>> -> memref<1x80x128xi32, #tpu.memory_space<hbm>>
      %dma_wait3A_36 = tpu.memref_squeeze %dma_wait3A_35 : memref<1x80x128xi32, #tpu.memory_space<hbm>> -> memref<80x128xi32, #tpu.memory_space<hbm>>
      tpu.wait_dma2 semaphore(%run_scoped3A : memref<!tpu.dma_semaphore, #tpu.memory_space<semaphore_mem>>) src(%dma_wait3A_36 : memref<80x128xi32, #tpu.memory_space<hbm>>) dst(%arg8 : memref<80x128xi32, #tpu.memory_space<vmem>>)
      tpu.yield
    }) : () -> ()
    %mul3A_1 = arith.constant 632 : i32
    %mul3A_2 = arith.muli %arg1, %mul3A_1 : i32
    "tpu.region"() ({
      %run_scoped3A = tpu.sem_alloc : memref<!tpu.dma_semaphore, #tpu.memory_space<semaphore_mem>>
      %dma_start3A_22 = arith.constant 0 : i32
      %dma_start3A_23 = tpu.memref_slice %arg11[%mul3A_2, %dma_start3A_22] : memref<10112x64xf32, #tpu.memory_space<vmem_shared>> -> memref<632x64xf32, #tpu.memory_space<vmem_shared>>
      tpu.enqueue_dma source(%arg5 : memref<632x64xf32, #tpu.memory_space<hbm>>) target(%dma_start3A_23 : memref<632x64xf32, #tpu.memory_space<vmem_shared>>) target_semaphore(%run_scoped3A : memref<!tpu.dma_semaphore, #tpu.memory_space<semaphore_mem>>)
      %dma_wait3A = arith.constant 0 : i32
      %dma_wait3A_24 = tpu.memref_slice %arg11[%mul3A_2, %dma_wait3A] : memref<10112x64xf32, #tpu.memory_space<vmem_shared>> -> memref<632x64xf32, #tpu.memory_space<vmem_shared>>
      tpu.wait_dma2 semaphore(%run_scoped3A : memref<!tpu.dma_semaphore, #tpu.memory_space<semaphore_mem>>) src(%arg5 : memref<632x64xf32, #tpu.memory_space<hbm>>) dst(%dma_wait3A_24 : memref<632x64xf32, #tpu.memory_space<vmem_shared>>)
      tpu.yield
    }) : () -> ()
    %barrier3A = arith.constant 0 : index
    tpu.barrier barrier_id(%barrier3A)
    %dma_start3A = arith.constant 0 : i32
    %dma_start3A_3 = arith.constant 0 : i32
    %dma_start3A_4 = tpu.memref_slice %arg7[%dma_start3A, %dma_start3A_3] : memref<80x128xi32, #tpu.memory_space<vmem>> -> memref<1x128xi32, #tpu.memory_space<vmem>>
    %dma_start3A_5 = tpu.memref_squeeze %dma_start3A_4 : memref<1x128xi32, #tpu.memory_space<vmem>> -> memref<128xi32, #tpu.memory_space<vmem>>
    %dma_start3A_6 = arith.constant 0 : i32
    %dma_start3A_7 = arith.constant 0 : i32
    %dma_start3A_8 = tpu.memref_slice %arg2[%dma_start3A_6, %dma_start3A_7] : memref<10000x64xf32, #tpu.memory_space<hbm>> -> memref<10000x64xf32, #tpu.memory_space<hbm>>
    tpu.enqueue_indirect_dma source(%dma_start3A_8 : memref<10000x64xf32, #tpu.memory_space<hbm>>) target(%arg9 : memref<128x64xf32, #tpu.memory_space<vmem>>) offsets(%dma_start3A_5 : memref<128xi32, #tpu.memory_space<vmem>>) semaphore(%arg12 : memref<!tpu.dma_semaphore, #tpu.memory_space<semaphore_mem>>)
    %scan3A = arith.constant 0 : i32
    %scan3A_9 = arith.constant 0 : i32
    %scan3A_10 = arith.constant 40 : i32
    %scan3A_11 = arith.addi %scan3A_9, %scan3A_10 : i32
    %scan3A_12 = arith.constant 1 : i32
    scf.for %scan3A_22 = %scan3A_9 to %scan3A_11 step %scan3A_12  : i32 {
      %mul3A_23 = arith.constant 2 : i32
      %mul3A_24 = arith.muli %mul3A_23, %scan3A_22 : i32
      %add3A_25 = arith.constant 1 : i32
      %add3A_26 = arith.addi %mul3A_24, %add3A_25 : i32
      %dma_start3A_27 = arith.constant 0 : i32
      %dma_start3A_28 = tpu.memref_slice %arg7[%add3A_26, %dma_start3A_27] : memref<80x128xi32, #tpu.memory_space<vmem>> -> memref<1x128xi32, #tpu.memory_space<vmem>>
      %dma_start3A_29 = tpu.memref_squeeze %dma_start3A_28 : memref<1x128xi32, #tpu.memory_space<vmem>> -> memref<128xi32, #tpu.memory_space<vmem>>
      %dma_start3A_30 = arith.constant 0 : i32
      %dma_start3A_31 = arith.constant 0 : i32
      %dma_start3A_32 = tpu.memref_slice %arg2[%dma_start3A_30, %dma_start3A_31] : memref<10000x64xf32, #tpu.memory_space<hbm>> -> memref<10000x64xf32, #tpu.memory_space<hbm>>
      tpu.enqueue_indirect_dma source(%dma_start3A_32 : memref<10000x64xf32, #tpu.memory_space<hbm>>) target(%arg10 : memref<128x64xf32, #tpu.memory_space<vmem>>) offsets(%dma_start3A_29 : memref<128xi32, #tpu.memory_space<vmem>>) semaphore(%arg13 : memref<!tpu.dma_semaphore, #tpu.memory_space<semaphore_mem>>)
      %dma_wait3A = arith.constant 0 : i32
      %dma_wait3A_33 = tpu.memref_slice %arg7[%mul3A_24, %dma_wait3A] : memref<80x128xi32, #tpu.memory_space<vmem>> -> memref<1x128xi32, #tpu.memory_space<vmem>>
      %dma_wait3A_34 = tpu.memref_squeeze %dma_wait3A_33 : memref<1x128xi32, #tpu.memory_space<vmem>> -> memref<128xi32, #tpu.memory_space<vmem>>
      %dma_wait3A_35 = arith.constant 0 : i32
      %dma_wait3A_36 = arith.constant 0 : i32
      %dma_wait3A_37 = tpu.memref_slice %arg2[%dma_wait3A_35, %dma_wait3A_36] : memref<10000x64xf32, #tpu.memory_space<hbm>> -> memref<10000x64xf32, #tpu.memory_space<hbm>>
      tpu.wait_indirect_dma semaphore(%arg12 : memref<!tpu.dma_semaphore, #tpu.memory_space<semaphore_mem>>) src(%dma_wait3A_37 : memref<10000x64xf32, #tpu.memory_space<hbm>>) dst(%arg9 : memref<128x64xf32, #tpu.memory_space<vmem>>)
      "tpu.region"() ({
        %run_scoped3A = tpu.sem_alloc : memref<!tpu.dma_semaphore, #tpu.memory_space<semaphore_mem>>
        %dma_start3A_50 = arith.constant 0 : i32
        %dma_start3A_51 = tpu.memref_slice %arg8[%mul3A_24, %dma_start3A_50] : memref<80x128xi32, #tpu.memory_space<vmem>> -> memref<1x128xi32, #tpu.memory_space<vmem>>
        %dma_start3A_52 = tpu.memref_squeeze %dma_start3A_51 : memref<1x128xi32, #tpu.memory_space<vmem>> -> memref<128xi32, #tpu.memory_space<vmem>>
        %dma_start3A_53 = arith.constant 0 : i32
        %dma_start3A_54 = arith.constant 0 : i32
        %dma_start3A_55 = tpu.memref_slice %arg11[%dma_start3A_53, %dma_start3A_54] : memref<10112x64xf32, #tpu.memory_space<vmem_shared>> -> memref<10112x64xf32, #tpu.memory_space<vmem_shared>>
        tpu.enqueue_indirect_dma source(%arg9 : memref<128x64xf32, #tpu.memory_space<vmem>>) target(%dma_start3A_55 : memref<10112x64xf32, #tpu.memory_space<vmem_shared>>) offsets(%dma_start3A_52 : memref<128xi32, #tpu.memory_space<vmem>>) semaphore(%run_scoped3A : memref<!tpu.dma_semaphore, #tpu.memory_space<semaphore_mem>>) {add = true}
        %dma_wait3A_56 = arith.constant 0 : i32
        %dma_wait3A_57 = tpu.memref_slice %arg8[%mul3A_24, %dma_wait3A_56] : memref<80x128xi32, #tpu.memory_space<vmem>> -> memref<1x128xi32, #tpu.memory_space<vmem>>
        %dma_wait3A_58 = tpu.memref_squeeze %dma_wait3A_57 : memref<1x128xi32, #tpu.memory_space<vmem>> -> memref<128xi32, #tpu.memory_space<vmem>>
        %dma_wait3A_59 = arith.constant 0 : i32
        %dma_wait3A_60 = arith.constant 0 : i32
        %dma_wait3A_61 = tpu.memref_slice %arg11[%dma_wait3A_59, %dma_wait3A_60] : memref<10112x64xf32, #tpu.memory_space<vmem_shared>> -> memref<10112x64xf32, #tpu.memory_space<vmem_shared>>
        tpu.wait_indirect_dma semaphore(%run_scoped3A : memref<!tpu.dma_semaphore, #tpu.memory_space<semaphore_mem>>) src(%arg9 : memref<128x64xf32, #tpu.memory_space<vmem>>) dst(%dma_wait3A_61 : memref<10112x64xf32, #tpu.memory_space<vmem_shared>>)
        tpu.yield
      }) : () -> ()
      %lt3A = arith.constant 39 : i32
      %lt3A_38 = arith.cmpi slt, %scan3A_22, %lt3A : i32
      %convert_element_type3A = arith.extui %lt3A_38 : i1 to i32
      %cond3A = arith.constant 0 : i32
      %cond3A_39 = arith.cmpi ne, %convert_element_type3A, %cond3A : i32
      scf.if %cond3A_39 {
        %add3A_50 = arith.constant 2 : i32
        %add3A_51 = arith.addi %mul3A_24, %add3A_50 : i32
        %dma_start3A_52 = arith.constant 0 : i32
        %dma_start3A_53 = tpu.memref_slice %arg7[%add3A_51, %dma_start3A_52] : memref<80x128xi32, #tpu.memory_space<vmem>> -> memref<1x128xi32, #tpu.memory_space<vmem>>
        %dma_start3A_54 = tpu.memref_squeeze %dma_start3A_53 : memref<1x128xi32, #tpu.memory_space<vmem>> -> memref<128xi32, #tpu.memory_space<vmem>>
        %dma_start3A_55 = arith.constant 0 : i32
        %dma_start3A_56 = arith.constant 0 : i32
        %dma_start3A_57 = tpu.memref_slice %arg2[%dma_start3A_55, %dma_start3A_56] : memref<10000x64xf32, #tpu.memory_space<hbm>> -> memref<10000x64xf32, #tpu.memory_space<hbm>>
        tpu.enqueue_indirect_dma source(%dma_start3A_57 : memref<10000x64xf32, #tpu.memory_space<hbm>>) target(%arg9 : memref<128x64xf32, #tpu.memory_space<vmem>>) offsets(%dma_start3A_54 : memref<128xi32, #tpu.memory_space<vmem>>) semaphore(%arg12 : memref<!tpu.dma_semaphore, #tpu.memory_space<semaphore_mem>>)
      } else {
      }
      %add3A_40 = arith.constant 1 : i32
      %add3A_41 = arith.addi %mul3A_24, %add3A_40 : i32
      %dma_wait3A_42 = arith.constant 0 : i32
      %dma_wait3A_43 = tpu.memref_slice %arg7[%add3A_41, %dma_wait3A_42] : memref<80x128xi32, #tpu.memory_space<vmem>> -> memref<1x128xi32, #tpu.memory_space<vmem>>
      %dma_wait3A_44 = tpu.memref_squeeze %dma_wait3A_43 : memref<1x128xi32, #tpu.memory_space<vmem>> -> memref<128xi32, #tpu.memory_space<vmem>>
      %dma_wait3A_45 = arith.constant 0 : i32
      %dma_wait3A_46 = arith.constant 0 : i32
      %dma_wait3A_47 = tpu.memref_slice %arg2[%dma_wait3A_45, %dma_wait3A_46] : memref<10000x64xf32, #tpu.memory_space<hbm>> -> memref<10000x64xf32, #tpu.memory_space<hbm>>
      tpu.wait_indirect_dma semaphore(%arg13 : memref<!tpu.dma_semaphore, #tpu.memory_space<semaphore_mem>>) src(%dma_wait3A_47 : memref<10000x64xf32, #tpu.memory_space<hbm>>) dst(%arg10 : memref<128x64xf32, #tpu.memory_space<vmem>>)
      %add3A_48 = arith.constant 1 : i32
      %add3A_49 = arith.addi %mul3A_24, %add3A_48 : i32
      "tpu.region"() ({
        %run_scoped3A = tpu.sem_alloc : memref<!tpu.dma_semaphore, #tpu.memory_space<semaphore_mem>>
        %dma_start3A_50 = arith.constant 0 : i32
        %dma_start3A_51 = tpu.memref_slice %arg8[%add3A_49, %dma_start3A_50] : memref<80x128xi32, #tpu.memory_space<vmem>> -> memref<1x128xi32, #tpu.memory_space<vmem>>
        %dma_start3A_52 = tpu.memref_squeeze %dma_start3A_51 : memref<1x128xi32, #tpu.memory_space<vmem>> -> memref<128xi32, #tpu.memory_space<vmem>>
        %dma_start3A_53 = arith.constant 0 : i32
        %dma_start3A_54 = arith.constant 0 : i32
        %dma_start3A_55 = tpu.memref_slice %arg11[%dma_start3A_53, %dma_start3A_54] : memref<10112x64xf32, #tpu.memory_space<vmem_shared>> -> memref<10112x64xf32, #tpu.memory_space<vmem_shared>>
        tpu.enqueue_indirect_dma source(%arg10 : memref<128x64xf32, #tpu.memory_space<vmem>>) target(%dma_start3A_55 : memref<10112x64xf32, #tpu.memory_space<vmem_shared>>) offsets(%dma_start3A_52 : memref<128xi32, #tpu.memory_space<vmem>>) semaphore(%run_scoped3A : memref<!tpu.dma_semaphore, #tpu.memory_space<semaphore_mem>>) {add = true}
        %dma_wait3A_56 = arith.constant 0 : i32
        %dma_wait3A_57 = tpu.memref_slice %arg8[%add3A_49, %dma_wait3A_56] : memref<80x128xi32, #tpu.memory_space<vmem>> -> memref<1x128xi32, #tpu.memory_space<vmem>>
        %dma_wait3A_58 = tpu.memref_squeeze %dma_wait3A_57 : memref<1x128xi32, #tpu.memory_space<vmem>> -> memref<128xi32, #tpu.memory_space<vmem>>
        %dma_wait3A_59 = arith.constant 0 : i32
        %dma_wait3A_60 = arith.constant 0 : i32
        %dma_wait3A_61 = tpu.memref_slice %arg11[%dma_wait3A_59, %dma_wait3A_60] : memref<10112x64xf32, #tpu.memory_space<vmem_shared>> -> memref<10112x64xf32, #tpu.memory_space<vmem_shared>>
        tpu.wait_indirect_dma semaphore(%run_scoped3A : memref<!tpu.dma_semaphore, #tpu.memory_space<semaphore_mem>>) src(%arg10 : memref<128x64xf32, #tpu.memory_space<vmem>>) dst(%dma_wait3A_61 : memref<10112x64xf32, #tpu.memory_space<vmem_shared>>)
        tpu.yield
      }) : () -> ()
    }
    %scan3A_13 = arith.constant 40 : i32
    %barrier3A_14 = arith.constant 0 : index
    tpu.barrier barrier_id(%barrier3A_14)
    %mul3A_15 = arith.constant 632 : i32
    %mul3A_16 = arith.muli %arg1, %mul3A_15 : i32
    %mul3A_17 = arith.constant 10112 : i32
    %mul3A_18 = arith.muli %arg0, %mul3A_17 : i32
    %mul3A_19 = arith.constant 632 : i32
    %mul3A_20 = arith.muli %arg1, %mul3A_19 : i32
    %add3A_21 = arith.addi %mul3A_18, %mul3A_20 : i32
    "tpu.region"() ({
      %run_scoped3A = tpu.sem_alloc : memref<!tpu.dma_semaphore, #tpu.memory_space<semaphore_mem>>
      %dma_start3A_22 = arith.constant 0 : i32
      %dma_start3A_23 = tpu.memref_slice %arg6[%add3A_21, %dma_start3A_22] : memref<20224x64xf32, #tpu.memory_space<hbm>> -> memref<632x64xf32, #tpu.memory_space<hbm>>
      %dma_start3A_24 = arith.constant 0 : i32
      %dma_start3A_25 = tpu.memref_slice %arg11[%mul3A_16, %dma_start3A_24] : memref<10112x64xf32, #tpu.memory_space<vmem_shared>> -> memref<632x64xf32, #tpu.memory_space<vmem_shared>>
      tpu.enqueue_dma source(%dma_start3A_25 : memref<632x64xf32, #tpu.memory_space<vmem_shared>>) target(%dma_start3A_23 : memref<632x64xf32, #tpu.memory_space<hbm>>) target_semaphore(%run_scoped3A : memref<!tpu.dma_semaphore, #tpu.memory_space<semaphore_mem>>)
      %dma_wait3A = arith.constant 0 : i32
      %dma_wait3A_26 = tpu.memref_slice %arg6[%add3A_21, %dma_wait3A] : memref<20224x64xf32, #tpu.memory_space<hbm>> -> memref<632x64xf32, #tpu.memory_space<hbm>>
      %dma_wait3A_27 = arith.constant 0 : i32
      %dma_wait3A_28 = tpu.memref_slice %arg11[%mul3A_16, %dma_wait3A_27] : memref<10112x64xf32, #tpu.memory_space<vmem_shared>> -> memref<632x64xf32, #tpu.memory_space<vmem_shared>>
      tpu.wait_dma2 semaphore(%run_scoped3A : memref<!tpu.dma_semaphore, #tpu.memory_space<semaphore_mem>>) src(%dma_wait3A_28 : memref<632x64xf32, #tpu.memory_space<vmem_shared>>) dst(%dma_wait3A_26 : memref<632x64xf32, #tpu.memory_space<hbm>>)
      tpu.yield
    }) : () -> ()
    return
  }
}

#map = affine_map<(d0, d1) -> (0, 0)>
#map1 = affine_map<(d0, d1) -> (0, 0, 0)>
module attributes {stable_mosaic.version = 14 : i64} {
  func.func @_sc_body(%arg0: i32, %arg1: i32, %arg2: memref<10000x64xf32, #tpu.memory_space<hbm>>, %arg3: memref<32x80x128xi32, #tpu.memory_space<hbm>>, %arg4: memref<32x80x128xi32, #tpu.memory_space<hbm>>, %arg5: memref<632x64xf32, #tpu.memory_space<hbm>>, %arg6: memref<20224x64xf32, #tpu.memory_space<hbm>>, %arg7: memref<80x128xi32, #tpu.memory_space<vmem>>, %arg8: memref<80x128xi32, #tpu.memory_space<vmem>>, %arg9: memref<128x64xf32, #tpu.memory_space<vmem>>, %arg10: memref<128x64xf32, #tpu.memory_space<vmem>>, %arg11: memref<10112x64xf32, #tpu.memory_space<vmem_shared>>, %arg12: memref<!tpu.dma_semaphore, #tpu.memory_space<semaphore_mem>>, %arg13: memref<!tpu.dma_semaphore, #tpu.memory_space<semaphore_mem>>) attributes {dimension_semantics = [#tpu.dimension_semantics<core_parallel>, #tpu.dimension_semantics<subcore_parallel>], iteration_bounds = array<i64: 2, 16>, scalar_prefetch = 0 : i64, scratch_operands = 7 : i64, tpu.core_type = #tpu.core_type<sc_vector_subcore>, window_params = [{transform_indices = #map}, {transform_indices = #map1}, {transform_indices = #map1}, {transform_indices = #map}, {transform_indices = #map}]} {
    %mul3A = arith.constant 16 : i32
    %mul3A_0 = arith.muli %arg0, %mul3A : i32
    %add3A = arith.addi %mul3A_0, %arg1 : i32
    "tpu.region"() ({
      %run_scoped3A = tpu.sem_alloc : memref<!tpu.dma_semaphore, #tpu.memory_space<semaphore_mem>>
      %dma_start3A_22 = arith.constant 0 : i32
      %dma_start3A_23 = arith.constant 0 : i32
      %dma_start3A_24 = tpu.memref_slice %arg3[%add3A, %dma_start3A_22, %dma_start3A_23] : memref<32x80x128xi32, #tpu.memory_space<hbm>> -> memref<1x80x128xi32, #tpu.memory_space<hbm>>
      %dma_start3A_25 = tpu.memref_squeeze %dma_start3A_24 : memref<1x80x128xi32, #tpu.memory_space<hbm>> -> memref<80x128xi32, #tpu.memory_space<hbm>>
      %dma_start3A_26 = arith.constant 0 : i32
      %dma_start3A_27 = arith.constant 0 : i32
      %dma_start3A_28 = tpu.memref_slice %arg3[%add3A, %dma_start3A_26, %dma_start3A_27] : memref<32x80x128xi32, #tpu.memory_space<hbm>> -> memref<1x80x128xi32, #tpu.memory_space<hbm>>
      %dma_start3A_29 = tpu.memref_squeeze %dma_start3A_28 : memref<1x80x128xi32, #tpu.memory_space<hbm>> -> memref<80x128xi32, #tpu.memory_space<hbm>>
      tpu.enqueue_dma source(%dma_start3A_29 : memref<80x128xi32, #tpu.memory_space<hbm>>) target(%arg7 : memref<80x128xi32, #tpu.memory_space<vmem>>) target_semaphore(%run_scoped3A : memref<!tpu.dma_semaphore, #tpu.memory_space<semaphore_mem>>)
      %dma_wait3A = arith.constant 0 : i32
      %dma_wait3A_30 = arith.constant 0 : i32
      %dma_wait3A_31 = tpu.memref_slice %arg3[%add3A, %dma_wait3A, %dma_wait3A_30] : memref<32x80x128xi32, #tpu.memory_space<hbm>> -> memref<1x80x128xi32, #tpu.memory_space<hbm>>
      %dma_wait3A_32 = tpu.memref_squeeze %dma_wait3A_31 : memref<1x80x128xi32, #tpu.memory_space<hbm>> -> memref<80x128xi32, #tpu.memory_space<hbm>>
      %dma_wait3A_33 = arith.constant 0 : i32
      %dma_wait3A_34 = arith.constant 0 : i32
      %dma_wait3A_35 = tpu.memref_slice %arg3[%add3A, %dma_wait3A_33, %dma_wait3A_34] : memref<32x80x128xi32, #tpu.memory_space<hbm>> -> memref<1x80x128xi32, #tpu.memory_space<hbm>>
      %dma_wait3A_36 = tpu.memref_squeeze %dma_wait3A_35 : memref<1x80x128xi32, #tpu.memory_space<hbm>> -> memref<80x128xi32, #tpu.memory_space<hbm>>
      tpu.wait_dma2 semaphore(%run_scoped3A : memref<!tpu.dma_semaphore, #tpu.memory_space<semaphore_mem>>) src(%dma_wait3A_36 : memref<80x128xi32, #tpu.memory_space<hbm>>) dst(%arg7 : memref<80x128xi32, #tpu.memory_space<vmem>>)
      tpu.yield
    }) : () -> ()
    "tpu.region"() ({
      %run_scoped3A = tpu.sem_alloc : memref<!tpu.dma_semaphore, #tpu.memory_space<semaphore_mem>>
      %dma_start3A_22 = arith.constant 0 : i32
      %dma_start3A_23 = arith.constant 0 : i32
      %dma_start3A_24 = tpu.memref_slice %arg4[%add3A, %dma_start3A_22, %dma_start3A_23] : memref<32x80x128xi32, #tpu.memory_space<hbm>> -> memref<1x80x128xi32, #tpu.memory_space<hbm>>
      %dma_start3A_25 = tpu.memref_squeeze %dma_start3A_24 : memref<1x80x128xi32, #tpu.memory_space<hbm>> -> memref<80x128xi32, #tpu.memory_space<hbm>>
      %dma_start3A_26 = arith.constant 0 : i32
      %dma_start3A_27 = arith.constant 0 : i32
      %dma_start3A_28 = tpu.memref_slice %arg4[%add3A, %dma_start3A_26, %dma_start3A_27] : memref<32x80x128xi32, #tpu.memory_space<hbm>> -> memref<1x80x128xi32, #tpu.memory_space<hbm>>
      %dma_start3A_29 = tpu.memref_squeeze %dma_start3A_28 : memref<1x80x128xi32, #tpu.memory_space<hbm>> -> memref<80x128xi32, #tpu.memory_space<hbm>>
      tpu.enqueue_dma source(%dma_start3A_29 : memref<80x128xi32, #tpu.memory_space<hbm>>) target(%arg8 : memref<80x128xi32, #tpu.memory_space<vmem>>) target_semaphore(%run_scoped3A : memref<!tpu.dma_semaphore, #tpu.memory_space<semaphore_mem>>)
      %dma_wait3A = arith.constant 0 : i32
      %dma_wait3A_30 = arith.constant 0 : i32
      %dma_wait3A_31 = tpu.memref_slice %arg4[%add3A, %dma_wait3A, %dma_wait3A_30] : memref<32x80x128xi32, #tpu.memory_space<hbm>> -> memref<1x80x128xi32, #tpu.memory_space<hbm>>
      %dma_wait3A_32 = tpu.memref_squeeze %dma_wait3A_31 : memref<1x80x128xi32, #tpu.memory_space<hbm>> -> memref<80x128xi32, #tpu.memory_space<hbm>>
      %dma_wait3A_33 = arith.constant 0 : i32
      %dma_wait3A_34 = arith.constant 0 : i32
      %dma_wait3A_35 = tpu.memref_slice %arg4[%add3A, %dma_wait3A_33, %dma_wait3A_34] : memref<32x80x128xi32, #tpu.memory_space<hbm>> -> memref<1x80x128xi32, #tpu.memory_space<hbm>>
      %dma_wait3A_36 = tpu.memref_squeeze %dma_wait3A_35 : memref<1x80x128xi32, #tpu.memory_space<hbm>> -> memref<80x128xi32, #tpu.memory_space<hbm>>
      tpu.wait_dma2 semaphore(%run_scoped3A : memref<!tpu.dma_semaphore, #tpu.memory_space<semaphore_mem>>) src(%dma_wait3A_36 : memref<80x128xi32, #tpu.memory_space<hbm>>) dst(%arg8 : memref<80x128xi32, #tpu.memory_space<vmem>>)
      tpu.yield
    }) : () -> ()
    %mul3A_1 = arith.constant 632 : i32
    %mul3A_2 = arith.muli %arg1, %mul3A_1 : i32
    "tpu.region"() ({
      %run_scoped3A = tpu.sem_alloc : memref<!tpu.dma_semaphore, #tpu.memory_space<semaphore_mem>>
      %dma_start3A_22 = arith.constant 0 : i32
      %dma_start3A_23 = tpu.memref_slice %arg11[%mul3A_2, %dma_start3A_22] : memref<10112x64xf32, #tpu.memory_space<vmem_shared>> -> memref<632x64xf32, #tpu.memory_space<vmem_shared>>
      tpu.enqueue_dma source(%arg5 : memref<632x64xf32, #tpu.memory_space<hbm>>) target(%dma_start3A_23 : memref<632x64xf32, #tpu.memory_space<vmem_shared>>) target_semaphore(%run_scoped3A : memref<!tpu.dma_semaphore, #tpu.memory_space<semaphore_mem>>)
      %dma_wait3A = arith.constant 0 : i32
      %dma_wait3A_24 = tpu.memref_slice %arg11[%mul3A_2, %dma_wait3A] : memref<10112x64xf32, #tpu.memory_space<vmem_shared>> -> memref<632x64xf32, #tpu.memory_space<vmem_shared>>
      tpu.wait_dma2 semaphore(%run_scoped3A : memref<!tpu.dma_semaphore, #tpu.memory_space<semaphore_mem>>) src(%arg5 : memref<632x64xf32, #tpu.memory_space<hbm>>) dst(%dma_wait3A_24 : memref<632x64xf32, #tpu.memory_space<vmem_shared>>)
      tpu.yield
    }) : () -> ()
    %barrier3A = arith.constant 0 : index
    tpu.barrier barrier_id(%barrier3A)
    %dma_start3A = arith.constant 0 : i32
    %dma_start3A_3 = arith.constant 0 : i32
    %dma_start3A_4 = tpu.memref_slice %arg7[%dma_start3A, %dma_start3A_3] : memref<80x128xi32, #tpu.memory_space<vmem>> -> memref<1x128xi32, #tpu.memory_space<vmem>>
    %dma_start3A_5 = tpu.memref_squeeze %dma_start3A_4 : memref<1x128xi32, #tpu.memory_space<vmem>> -> memref<128xi32, #tpu.memory_space<vmem>>
    %dma_start3A_6 = arith.constant 0 : i32
    %dma_start3A_7 = arith.constant 0 : i32
    %dma_start3A_8 = tpu.memref_slice %arg2[%dma_start3A_6, %dma_start3A_7] : memref<10000x64xf32, #tpu.memory_space<hbm>> -> memref<10000x64xf32, #tpu.memory_space<hbm>>
    tpu.enqueue_indirect_dma source(%dma_start3A_8 : memref<10000x64xf32, #tpu.memory_space<hbm>>) target(%arg9 : memref<128x64xf32, #tpu.memory_space<vmem>>) offsets(%dma_start3A_5 : memref<128xi32, #tpu.memory_space<vmem>>) semaphore(%arg12 : memref<!tpu.dma_semaphore, #tpu.memory_space<semaphore_mem>>)
    %scan3A = arith.constant 0 : i32
    %scan3A_9 = arith.constant 0 : i32
    %scan3A_10 = arith.constant 40 : i32
    %scan3A_11 = arith.addi %scan3A_9, %scan3A_10 : i32
    %scan3A_12 = arith.constant 1 : i32
    scf.for %scan3A_22 = %scan3A_9 to %scan3A_11 step %scan3A_12  : i32 {
      %mul3A_23 = arith.constant 2 : i32
      %mul3A_24 = arith.muli %mul3A_23, %scan3A_22 : i32
      %add3A_25 = arith.constant 1 : i32
      %add3A_26 = arith.addi %mul3A_24, %add3A_25 : i32
      %dma_start3A_27 = arith.constant 0 : i32
      %dma_start3A_28 = tpu.memref_slice %arg7[%add3A_26, %dma_start3A_27] : memref<80x128xi32, #tpu.memory_space<vmem>> -> memref<1x128xi32, #tpu.memory_space<vmem>>
      %dma_start3A_29 = tpu.memref_squeeze %dma_start3A_28 : memref<1x128xi32, #tpu.memory_space<vmem>> -> memref<128xi32, #tpu.memory_space<vmem>>
      %dma_start3A_30 = arith.constant 0 : i32
      %dma_start3A_31 = arith.constant 0 : i32
      %dma_start3A_32 = tpu.memref_slice %arg2[%dma_start3A_30, %dma_start3A_31] : memref<10000x64xf32, #tpu.memory_space<hbm>> -> memref<10000x64xf32, #tpu.memory_space<hbm>>
      tpu.enqueue_indirect_dma source(%dma_start3A_32 : memref<10000x64xf32, #tpu.memory_space<hbm>>) target(%arg10 : memref<128x64xf32, #tpu.memory_space<vmem>>) offsets(%dma_start3A_29 : memref<128xi32, #tpu.memory_space<vmem>>) semaphore(%arg13 : memref<!tpu.dma_semaphore, #tpu.memory_space<semaphore_mem>>)
      %dma_wait3A = arith.constant 0 : i32
      %dma_wait3A_33 = tpu.memref_slice %arg7[%mul3A_24, %dma_wait3A] : memref<80x128xi32, #tpu.memory_space<vmem>> -> memref<1x128xi32, #tpu.memory_space<vmem>>
      %dma_wait3A_34 = tpu.memref_squeeze %dma_wait3A_33 : memref<1x128xi32, #tpu.memory_space<vmem>> -> memref<128xi32, #tpu.memory_space<vmem>>
      %dma_wait3A_35 = arith.constant 0 : i32
      %dma_wait3A_36 = arith.constant 0 : i32
      %dma_wait3A_37 = tpu.memref_slice %arg2[%dma_wait3A_35, %dma_wait3A_36] : memref<10000x64xf32, #tpu.memory_space<hbm>> -> memref<10000x64xf32, #tpu.memory_space<hbm>>
      tpu.wait_indirect_dma semaphore(%arg12 : memref<!tpu.dma_semaphore, #tpu.memory_space<semaphore_mem>>) src(%dma_wait3A_37 : memref<10000x64xf32, #tpu.memory_space<hbm>>) dst(%arg9 : memref<128x64xf32, #tpu.memory_space<vmem>>)
      "tpu.region"() ({
        %run_scoped3A = tpu.sem_alloc : memref<!tpu.dma_semaphore, #tpu.memory_space<semaphore_mem>>
        %dma_start3A_50 = arith.constant 0 : i32
        %dma_start3A_51 = tpu.memref_slice %arg8[%mul3A_24, %dma_start3A_50] : memref<80x128xi32, #tpu.memory_space<vmem>> -> memref<1x128xi32, #tpu.memory_space<vmem>>
        %dma_start3A_52 = tpu.memref_squeeze %dma_start3A_51 : memref<1x128xi32, #tpu.memory_space<vmem>> -> memref<128xi32, #tpu.memory_space<vmem>>
        %dma_start3A_53 = arith.constant 0 : i32
        %dma_start3A_54 = arith.constant 0 : i32
        %dma_start3A_55 = tpu.memref_slice %arg11[%dma_start3A_53, %dma_start3A_54] : memref<10112x64xf32, #tpu.memory_space<vmem_shared>> -> memref<10112x64xf32, #tpu.memory_space<vmem_shared>>
        tpu.enqueue_indirect_dma source(%arg9 : memref<128x64xf32, #tpu.memory_space<vmem>>) target(%dma_start3A_55 : memref<10112x64xf32, #tpu.memory_space<vmem_shared>>) offsets(%dma_start3A_52 : memref<128xi32, #tpu.memory_space<vmem>>) semaphore(%run_scoped3A : memref<!tpu.dma_semaphore, #tpu.memory_space<semaphore_mem>>) {add = true}
        %dma_wait3A_56 = arith.constant 0 : i32
        %dma_wait3A_57 = tpu.memref_slice %arg8[%mul3A_24, %dma_wait3A_56] : memref<80x128xi32, #tpu.memory_space<vmem>> -> memref<1x128xi32, #tpu.memory_space<vmem>>
        %dma_wait3A_58 = tpu.memref_squeeze %dma_wait3A_57 : memref<1x128xi32, #tpu.memory_space<vmem>> -> memref<128xi32, #tpu.memory_space<vmem>>
        %dma_wait3A_59 = arith.constant 0 : i32
        %dma_wait3A_60 = arith.constant 0 : i32
        %dma_wait3A_61 = tpu.memref_slice %arg11[%dma_wait3A_59, %dma_wait3A_60] : memref<10112x64xf32, #tpu.memory_space<vmem_shared>> -> memref<10112x64xf32, #tpu.memory_space<vmem_shared>>
        tpu.wait_indirect_dma semaphore(%run_scoped3A : memref<!tpu.dma_semaphore, #tpu.memory_space<semaphore_mem>>) src(%arg9 : memref<128x64xf32, #tpu.memory_space<vmem>>) dst(%dma_wait3A_61 : memref<10112x64xf32, #tpu.memory_space<vmem_shared>>)
        tpu.yield
      }) : () -> ()
      %lt3A = arith.constant 39 : i32
      %lt3A_38 = arith.cmpi slt, %scan3A_22, %lt3A : i32
      %convert_element_type3A = arith.extui %lt3A_38 : i1 to i32
      %cond3A = arith.constant 0 : i32
      %cond3A_39 = arith.cmpi ne, %convert_element_type3A, %cond3A : i32
      scf.if %cond3A_39 {
        %add3A_50 = arith.constant 2 : i32
        %add3A_51 = arith.addi %mul3A_24, %add3A_50 : i32
        %dma_start3A_52 = arith.constant 0 : i32
        %dma_start3A_53 = tpu.memref_slice %arg7[%add3A_51, %dma_start3A_52] : memref<80x128xi32, #tpu.memory_space<vmem>> -> memref<1x128xi32, #tpu.memory_space<vmem>>
        %dma_start3A_54 = tpu.memref_squeeze %dma_start3A_53 : memref<1x128xi32, #tpu.memory_space<vmem>> -> memref<128xi32, #tpu.memory_space<vmem>>
        %dma_start3A_55 = arith.constant 0 : i32
        %dma_start3A_56 = arith.constant 0 : i32
        %dma_start3A_57 = tpu.memref_slice %arg2[%dma_start3A_55, %dma_start3A_56] : memref<10000x64xf32, #tpu.memory_space<hbm>> -> memref<10000x64xf32, #tpu.memory_space<hbm>>
        tpu.enqueue_indirect_dma source(%dma_start3A_57 : memref<10000x64xf32, #tpu.memory_space<hbm>>) target(%arg9 : memref<128x64xf32, #tpu.memory_space<vmem>>) offsets(%dma_start3A_54 : memref<128xi32, #tpu.memory_space<vmem>>) semaphore(%arg12 : memref<!tpu.dma_semaphore, #tpu.memory_space<semaphore_mem>>)
      } else {
      }
      %add3A_40 = arith.constant 1 : i32
      %add3A_41 = arith.addi %mul3A_24, %add3A_40 : i32
      %dma_wait3A_42 = arith.constant 0 : i32
      %dma_wait3A_43 = tpu.memref_slice %arg7[%add3A_41, %dma_wait3A_42] : memref<80x128xi32, #tpu.memory_space<vmem>> -> memref<1x128xi32, #tpu.memory_space<vmem>>
      %dma_wait3A_44 = tpu.memref_squeeze %dma_wait3A_43 : memref<1x128xi32, #tpu.memory_space<vmem>> -> memref<128xi32, #tpu.memory_space<vmem>>
      %dma_wait3A_45 = arith.constant 0 : i32
      %dma_wait3A_46 = arith.constant 0 : i32
      %dma_wait3A_47 = tpu.memref_slice %arg2[%dma_wait3A_45, %dma_wait3A_46] : memref<10000x64xf32, #tpu.memory_space<hbm>> -> memref<10000x64xf32, #tpu.memory_space<hbm>>
      tpu.wait_indirect_dma semaphore(%arg13 : memref<!tpu.dma_semaphore, #tpu.memory_space<semaphore_mem>>) src(%dma_wait3A_47 : memref<10000x64xf32, #tpu.memory_space<hbm>>) dst(%arg10 : memref<128x64xf32, #tpu.memory_space<vmem>>)
      %add3A_48 = arith.constant 1 : i32
      %add3A_49 = arith.addi %mul3A_24, %add3A_48 : i32
      "tpu.region"() ({
        %run_scoped3A = tpu.sem_alloc : memref<!tpu.dma_semaphore, #tpu.memory_space<semaphore_mem>>
        %dma_start3A_50 = arith.constant 0 : i32
        %dma_start3A_51 = tpu.memref_slice %arg8[%add3A_49, %dma_start3A_50] : memref<80x128xi32, #tpu.memory_space<vmem>> -> memref<1x128xi32, #tpu.memory_space<vmem>>
        %dma_start3A_52 = tpu.memref_squeeze %dma_start3A_51 : memref<1x128xi32, #tpu.memory_space<vmem>> -> memref<128xi32, #tpu.memory_space<vmem>>
        %dma_start3A_53 = arith.constant 0 : i32
        %dma_start3A_54 = arith.constant 0 : i32
        %dma_start3A_55 = tpu.memref_slice %arg11[%dma_start3A_53, %dma_start3A_54] : memref<10112x64xf32, #tpu.memory_space<vmem_shared>> -> memref<10112x64xf32, #tpu.memory_space<vmem_shared>>
        tpu.enqueue_indirect_dma source(%arg10 : memref<128x64xf32, #tpu.memory_space<vmem>>) target(%dma_start3A_55 : memref<10112x64xf32, #tpu.memory_space<vmem_shared>>) offsets(%dma_start3A_52 : memref<128xi32, #tpu.memory_space<vmem>>) semaphore(%run_scoped3A : memref<!tpu.dma_semaphore, #tpu.memory_space<semaphore_mem>>) {add = true}
        %dma_wait3A_56 = arith.constant 0 : i32
        %dma_wait3A_57 = tpu.memref_slice %arg8[%add3A_49, %dma_wait3A_56] : memref<80x128xi32, #tpu.memory_space<vmem>> -> memref<1x128xi32, #tpu.memory_space<vmem>>
        %dma_wait3A_58 = tpu.memref_squeeze %dma_wait3A_57 : memref<1x128xi32, #tpu.memory_space<vmem>> -> memref<128xi32, #tpu.memory_space<vmem>>
        %dma_wait3A_59 = arith.constant 0 : i32
        %dma_wait3A_60 = arith.constant 0 : i32
        %dma_wait3A_61 = tpu.memref_slice %arg11[%dma_wait3A_59, %dma_wait3A_60] : memref<10112x64xf32, #tpu.memory_space<vmem_shared>> -> memref<10112x64xf32, #tpu.memory_space<vmem_shared>>
        tpu.wait_indirect_dma semaphore(%run_scoped3A : memref<!tpu.dma_semaphore, #tpu.memory_space<semaphore_mem>>) src(%arg10 : memref<128x64xf32, #tpu.memory_space<vmem>>) dst(%dma_wait3A_61 : memref<10112x64xf32, #tpu.memory_space<vmem_shared>>)
        tpu.yield
      }) : () -> ()
    }
    %scan3A_13 = arith.constant 40 : i32
    %barrier3A_14 = arith.constant 0 : index
    tpu.barrier barrier_id(%barrier3A_14)
    %mul3A_15 = arith.constant 632 : i32
    %mul3A_16 = arith.muli %arg1, %mul3A_15 : i32
    %mul3A_17 = arith.constant 10112 : i32
    %mul3A_18 = arith.muli %arg0, %mul3A_17 : i32
    %mul3A_19 = arith.constant 632 : i32
    %mul3A_20 = arith.muli %arg1, %mul3A_19 : i32
    %add3A_21 = arith.addi %mul3A_18, %mul3A_20 : i32
    "tpu.region"() ({
      %run_scoped3A = tpu.sem_alloc : memref<!tpu.dma_semaphore, #tpu.memory_space<semaphore_mem>>
      %dma_start3A_22 = arith.constant 0 : i32
      %dma_start3A_23 = tpu.memref_slice %arg6[%add3A_21, %dma_start3A_22] : memref<20224x64xf32, #tpu.memory_space<hbm>> -> memref<632x64xf32, #tpu.memory_space<hbm>>
      %dma_start3A_24 = arith.constant 0 : i32
      %dma_start3A_25 = tpu.memref_slice %arg11[%mul3A_16, %dma_start3A_24] : memref<10112x64xf32, #tpu.memory_space<vmem_shared>> -> memref<632x64xf32, #tpu.memory_space<vmem_shared>>
      tpu.enqueue_dma source(%dma_start3A_25 : memref<632x64xf32, #tpu.memory_space<vmem_shared>>) target(%dma_start3A_23 : memref<632x64xf32, #tpu.memory_space<hbm>>) target_semaphore(%run_scoped3A : memref<!tpu.dma_semaphore, #tpu.memory_space<semaphore_mem>>)
      %dma_wait3A = arith.constant 0 : i32
      %dma_wait3A_26 = tpu.memref_slice %arg6[%add3A_21, %dma_wait3A] : memref<20224x64xf32, #tpu.memory_space<hbm>> -> memref<632x64xf32, #tpu.memory_space<hbm>>
      %dma_wait3A_27 = arith.constant 0 : i32
      %dma_wait3A_28 = tpu.memref_slice %arg11[%mul3A_16, %dma_wait3A_27] : memref<10112x64xf32, #tpu.memory_space<vmem_shared>> -> memref<632x64xf32, #tpu.memory_space<vmem_shared>>
      tpu.wait_dma2 semaphore(%run_scoped3A : memref<!tpu.dma_semaphore, #tpu.memory_space<semaphore_mem>>) src(%dma_wait3A_28 : memref<632x64xf32, #tpu.memory_space<vmem_shared>>) dst(%dma_wait3A_26 : memref<632x64xf32, #tpu.memory_space<hbm>>)
      tpu.yield
    }) : () -> ()
    return
  }
}

module attributes {stable_mosaic.version = 14 : i64} {
  func.func @_pre_body(%arg0: memref<10000x128xf32, #tpu.memory_space<vmem>>, %arg1: memref<128x64xf32, #tpu.memory_space<vmem>>, %arg2: memref<128x64xf32, #tpu.memory_space<vmem>>, %arg3: memref<1x64xf32, #tpu.memory_space<vmem>>, %arg4: memref<10000x64xf32, #tpu.memory_space<vmem>>, %arg5: memref<10000x64xf32, #tpu.memory_space<vmem>>) attributes {dimension_semantics = [], scalar_prefetch = 0 : i64, scratch_operands = 0 : i64, tpu.core_type = #tpu.core_type<tc>} {
    %get3A = arith.constant 0 : index
    %get3A_0 = arith.constant 0 : index
    %get3A_1 = vector.load %arg0[%get3A, %get3A_0] : memref<10000x128xf32, #tpu.memory_space<vmem>>, vector<10000x128xf32>
    %get3A_2 = arith.constant 0 : index
    %get3A_3 = arith.constant 0 : index
    %get3A_4 = vector.load %arg2[%get3A_2, %get3A_3] : memref<128x64xf32, #tpu.memory_space<vmem>>, vector<128x64xf32>
    %dot_general3A = arith.constant dense<0.000000e+00> : vector<10000x64xf32>
    %dot_general3A_5 = tpu.matmul %get3A_1, %get3A_4, %dot_general3A {dimension_numbers = #tpu.dot_dimension_numbers<[1], [0], [0], [1], [0, 0, 1, 1], [], []>, transpose_lhs_hint = false} : vector<10000x128xf32>, vector<128x64xf32>, vector<10000x64xf32> -> vector<10000x64xf32>
    %swap3A = arith.constant 0 : index
    %swap3A_6 = arith.constant 0 : index
    %swap3A_7 = vector.load %arg4[%swap3A, %swap3A_6] : memref<10000x64xf32, #tpu.memory_space<vmem>>, vector<10000x64xf32>
    tpu.vector_store %arg4[%swap3A, %swap3A_6], %dot_general3A_5 {strides = array<i32>} : memref<10000x64xf32, #tpu.memory_space<vmem>>, vector<10000x64xf32>,
    %get3A_8 = arith.constant 0 : index
    %get3A_9 = arith.constant 0 : index
    %get3A_10 = vector.load %arg1[%get3A_8, %get3A_9] : memref<128x64xf32, #tpu.memory_space<vmem>>, vector<128x64xf32>
    %dot_general3A_11 = arith.constant dense<0.000000e+00> : vector<10000x64xf32>
    %dot_general3A_12 = tpu.matmul %get3A_1, %get3A_10, %dot_general3A_11 {dimension_numbers = #tpu.dot_dimension_numbers<[1], [0], [0], [1], [0, 0, 1, 1], [], []>, transpose_lhs_hint = false} : vector<10000x128xf32>, vector<128x64xf32>, vector<10000x64xf32> -> vector<10000x64xf32>
    %get3A_13 = arith.constant 0 : index
    %get3A_14 = arith.constant 0 : index
    %get3A_15 = vector.load %arg3[%get3A_13, %get3A_14] : memref<1x64xf32, #tpu.memory_space<vmem>>, vector<1x64xf32>
    %add3A = vector.broadcast %get3A_15 : vector<1x64xf32> to vector<10000x64xf32>
    %add3A_16 = arith.addf %dot_general3A_12, %add3A : vector<10000x64xf32>
    %swap3A_17 = arith.constant 0 : index
    %swap3A_18 = arith.constant 0 : index
    %swap3A_19 = vector.load %arg5[%swap3A_17, %swap3A_18] : memref<10000x64xf32, #tpu.memory_space<vmem>>, vector<10000x64xf32>
    tpu.vector_store %arg5[%swap3A_17, %swap3A_18], %add3A_16 {strides = array<i32>} : memref<10000x64xf32, #tpu.memory_space<vmem>>, vector<10000x64xf32>,
    return
  }
}

module attributes {stable_mosaic.version = 14 : i64} {
  func.func @_mid_body(%arg0: memref<10000x64xf32, #tpu.memory_space<vmem>>, %arg1: memref<20224x64xf32, #tpu.memory_space<vmem>>, %arg2: memref<64x64xf32, #tpu.memory_space<vmem>>, %arg3: memref<64x64xf32, #tpu.memory_space<vmem>>, %arg4: memref<1x64xf32, #tpu.memory_space<vmem>>, %arg5: memref<10000x64xf32, #tpu.memory_space<vmem>>, %arg6: memref<10000x64xf32, #tpu.memory_space<vmem>>) attributes {dimension_semantics = [], scalar_prefetch = 0 : i64, scratch_operands = 0 : i64, tpu.core_type = #tpu.core_type<tc>} {
    %get3A = arith.constant 0 : index
    %get3A_0 = arith.constant 0 : index
    %get3A_1 = vector.load %arg0[%get3A, %get3A_0] : memref<10000x64xf32, #tpu.memory_space<vmem>>, vector<10000x64xf32>
    %get3A_2 = arith.constant 0 : index
    %get3A_3 = arith.constant 0 : index
    %get3A_4 = vector.load %arg1[%get3A_2, %get3A_3] : memref<20224x64xf32, #tpu.memory_space<vmem>>, vector<10000x64xf32>
    %add3A = arith.addf %get3A_1, %get3A_4 : vector<10000x64xf32>
    %get3A_5 = arith.constant 10112 : index
    %get3A_6 = arith.constant 0 : index
    %get3A_7 = vector.load %arg1[%get3A_5, %get3A_6] : memref<20224x64xf32, #tpu.memory_space<vmem>>, vector<10000x64xf32>
    %add3A_8 = arith.addf %add3A, %get3A_7 : vector<10000x64xf32>
    %max3A = arith.constant 0.000000e+00 : f32
    %max3A_9 = vector.broadcast %max3A : f32 to vector<10000x64xf32>
    %max3A_10 = arith.maximumf %add3A_8, %max3A_9 : vector<10000x64xf32>
    %get3A_11 = arith.constant 0 : index
    %get3A_12 = arith.constant 0 : index
    %get3A_13 = vector.load %arg3[%get3A_11, %get3A_12] : memref<64x64xf32, #tpu.memory_space<vmem>>, vector<64x64xf32>
    %dot_general3A = arith.constant dense<0.000000e+00> : vector<10000x64xf32>
    %dot_general3A_14 = tpu.matmul %max3A_10, %get3A_13, %dot_general3A {dimension_numbers = #tpu.dot_dimension_numbers<[1], [0], [0], [1], [0, 0, 1, 1], [], []>, transpose_lhs_hint = false} : vector<10000x64xf32>, vector<64x64xf32>, vector<10000x64xf32> -> vector<10000x64xf32>
    %swap3A = arith.constant 0 : index
    %swap3A_15 = arith.constant 0 : index
    %swap3A_16 = vector.load %arg5[%swap3A, %swap3A_15] : memref<10000x64xf32, #tpu.memory_space<vmem>>, vector<10000x64xf32>
    tpu.vector_store %arg5[%swap3A, %swap3A_15], %dot_general3A_14 {strides = array<i32>} : memref<10000x64xf32, #tpu.memory_space<vmem>>, vector<10000x64xf32>,
    %get3A_17 = arith.constant 0 : index
    %get3A_18 = arith.constant 0 : index
    %get3A_19 = vector.load %arg2[%get3A_17, %get3A_18] : memref<64x64xf32, #tpu.memory_space<vmem>>, vector<64x64xf32>
    %dot_general3A_20 = arith.constant dense<0.000000e+00> : vector<10000x64xf32>
    %dot_general3A_21 = tpu.matmul %max3A_10, %get3A_19, %dot_general3A_20 {dimension_numbers = #tpu.dot_dimension_numbers<[1], [0], [0], [1], [0, 0, 1, 1], [], []>, transpose_lhs_hint = false} : vector<10000x64xf32>, vector<64x64xf32>, vector<10000x64xf32> -> vector<10000x64xf32>
    %get3A_22 = arith.constant 0 : index
    %get3A_23 = arith.constant 0 : index
    %get3A_24 = vector.load %arg4[%get3A_22, %get3A_23] : memref<1x64xf32, #tpu.memory_space<vmem>>, vector<1x64xf32>
    %add3A_25 = vector.broadcast %get3A_24 : vector<1x64xf32> to vector<10000x64xf32>
    %add3A_26 = arith.addf %dot_general3A_21, %add3A_25 : vector<10000x64xf32>
    %swap3A_27 = arith.constant 0 : index
    %swap3A_28 = arith.constant 0 : index
    %swap3A_29 = vector.load %arg6[%swap3A_27, %swap3A_28] : memref<10000x64xf32, #tpu.memory_space<vmem>>, vector<10000x64xf32>
    tpu.vector_store %arg6[%swap3A_27, %swap3A_28], %add3A_26 {strides = array<i32>} : memref<10000x64xf32, #tpu.memory_space<vmem>>, vector<10000x64xf32>,
    return
  }
}

module attributes {stable_mosaic.version = 14 : i64} {
  func.func @_final_body(%arg0: memref<10000x64xf32, #tpu.memory_space<vmem>>, %arg1: memref<20224x64xf32, #tpu.memory_space<vmem>>, %arg2: memref<1x10000xi32, #tpu.memory_space<vmem>>, %arg3: memref<64x64xf32, #tpu.memory_space<vmem>>, %arg4: memref<1x64xf32, #tpu.memory_space<vmem>>, %arg5: memref<64x128xf32, #tpu.memory_space<vmem>>, %arg6: memref<1x128xf32, #tpu.memory_space<vmem>>, %arg7: memref<64x128xf32, #tpu.memory_space<vmem>>) attributes {dimension_semantics = [], scalar_prefetch = 0 : i64, scratch_operands = 0 : i64, tpu.core_type = #tpu.core_type<tc>} {
    %get3A = arith.constant 0 : index
    %get3A_0 = arith.constant 0 : index
    %get3A_1 = vector.load %arg0[%get3A, %get3A_0] : memref<10000x64xf32, #tpu.memory_space<vmem>>, vector<10000x64xf32>
    %get3A_2 = arith.constant 0 : index
    %get3A_3 = arith.constant 0 : index
    %get3A_4 = vector.load %arg1[%get3A_2, %get3A_3] : memref<20224x64xf32, #tpu.memory_space<vmem>>, vector<10000x64xf32>
    %add3A = arith.addf %get3A_1, %get3A_4 : vector<10000x64xf32>
    %get3A_5 = arith.constant 10112 : index
    %get3A_6 = arith.constant 0 : index
    %get3A_7 = vector.load %arg1[%get3A_5, %get3A_6] : memref<20224x64xf32, #tpu.memory_space<vmem>>, vector<10000x64xf32>
    %add3A_8 = arith.addf %add3A, %get3A_7 : vector<10000x64xf32>
    %max3A = arith.constant 0.000000e+00 : f32
    %max3A_9 = vector.broadcast %max3A : f32 to vector<10000x64xf32>
    %max3A_10 = arith.maximumf %add3A_8, %max3A_9 : vector<10000x64xf32>
    %iota3A = tpu.iota {dimensions = array<i32: 0>} : vector<64x10000xi32>
    %get3A_11 = arith.constant 0 : index
    %get3A_12 = arith.constant 0 : index
    %get3A_13 = vector.load %arg2[%get3A_11, %get3A_12] : memref<1x10000xi32, #tpu.memory_space<vmem>>, vector<1x10000xi32>
    %eq3A = vector.broadcast %get3A_13 : vector<1x10000xi32> to vector<64x10000xi32>
    %eq3A_14 = arith.cmpi eq, %iota3A, %eq3A : vector<64x10000xi32>
    %convert_element_type3A = arith.extui %eq3A_14 : vector<64x10000xi1> to vector<64x10000xi32>
    %convert_element_type3A_15 = arith.sitofp %convert_element_type3A : vector<64x10000xi32> to vector<64x10000xf32>
    %dot_general3A = arith.constant dense<0.000000e+00> : vector<64x64xf32>
    %dot_general3A_16 = tpu.matmul %convert_element_type3A_15, %max3A_10, %dot_general3A {dimension_numbers = #tpu.dot_dimension_numbers<[1], [0], [0], [1], [0, 0, 1, 1], [], []>, transpose_lhs_hint = false} : vector<64x10000xf32>, vector<10000x64xf32>, vector<64x64xf32> -> vector<64x64xf32>
    %reduce_sum3A = arith.constant dense<0.000000e+00> : vector<64xf32>
    %reduce_sum3A_17 = vector.multi_reduction <add>, %convert_element_type3A_15, %reduce_sum3A [1] : vector<64x10000xf32> to vector<64xf32>
    %broadcast_in_dim3A = vector.shape_cast %reduce_sum3A_17 : vector<64xf32> to vector<64x1xf32>
    %max3A_18 = arith.constant 1.000000e+00 : f32
    %max3A_19 = vector.broadcast %max3A_18 : f32 to vector<64x1xf32>
    %max3A_20 = arith.maximumf %broadcast_in_dim3A, %max3A_19 : vector<64x1xf32>
    %div3A = vector.broadcast %max3A_20 : vector<64x1xf32> to vector<64x64xf32>
    %div3A_21 = arith.divf %dot_general3A_16, %div3A : vector<64x64xf32>
    %get3A_22 = arith.constant 0 : index
    %get3A_23 = arith.constant 0 : index
    %get3A_24 = vector.load %arg3[%get3A_22, %get3A_23] : memref<64x64xf32, #tpu.memory_space<vmem>>, vector<64x64xf32>
    %dot_general3A_25 = arith.constant dense<0.000000e+00> : vector<64x64xf32>
    %dot_general3A_26 = tpu.matmul %div3A_21, %get3A_24, %dot_general3A_25 {dimension_numbers = #tpu.dot_dimension_numbers<[1], [0], [0], [1], [0, 0, 1, 1], [], []>, transpose_lhs_hint = false} : vector<64x64xf32>, vector<64x64xf32>, vector<64x64xf32> -> vector<64x64xf32>
    %get3A_27 = arith.constant 0 : index
    %get3A_28 = arith.constant 0 : index
    %get3A_29 = vector.load %arg4[%get3A_27, %get3A_28] : memref<1x64xf32, #tpu.memory_space<vmem>>, vector<1x64xf32>
    %add3A_30 = vector.broadcast %get3A_29 : vector<1x64xf32> to vector<64x64xf32>
    %add3A_31 = arith.addf %dot_general3A_26, %add3A_30 : vector<64x64xf32>
    %max3A_32 = arith.constant 0.000000e+00 : f32
    %max3A_33 = vector.broadcast %max3A_32 : f32 to vector<64x64xf32>
    %max3A_34 = arith.maximumf %add3A_31, %max3A_33 : vector<64x64xf32>
    %get3A_35 = arith.constant 0 : index
    %get3A_36 = arith.constant 0 : index
    %get3A_37 = vector.load %arg5[%get3A_35, %get3A_36] : memref<64x128xf32, #tpu.memory_space<vmem>>, vector<64x128xf32>
    %dot_general3A_38 = arith.constant dense<0.000000e+00> : vector<64x128xf32>
    %dot_general3A_39 = tpu.matmul %max3A_34, %get3A_37, %dot_general3A_38 {dimension_numbers = #tpu.dot_dimension_numbers<[1], [0], [0], [1], [0, 0, 1, 1], [], []>, transpose_lhs_hint = false} : vector<64x64xf32>, vector<64x128xf32>, vector<64x128xf32> -> vector<64x128xf32>
    %get3A_40 = arith.constant 0 : index
    %get3A_41 = arith.constant 0 : index
    %get3A_42 = vector.load %arg6[%get3A_40, %get3A_41] : memref<1x128xf32, #tpu.memory_space<vmem>>, vector<1x128xf32>
    %add3A_43 = vector.broadcast %get3A_42 : vector<1x128xf32> to vector<64x128xf32>
    %add3A_44 = arith.addf %dot_general3A_39, %add3A_43 : vector<64x128xf32>
    %swap3A = arith.constant 0 : index
    %swap3A_45 = arith.constant 0 : index
    %swap3A_46 = vector.load %arg7[%swap3A, %swap3A_45] : memref<64x128xf32, #tpu.memory_space<vmem>>, vector<64x128xf32>
    tpu.vector_store %arg7[%swap3A, %swap3A_45], %add3A_44 {strides = array<i32>} : memref<64x128xf32, #tpu.memory_space<vmem>>, vector<64x128xf32>,
    return
  }
}

</mosaic_0001>

<sc_bundles>
// kernel: kernel.12.cloned.1.call-start
scs
__scs_entry_jumppad:
0x0: {  	(pc) =	sbr.rel $0x88, $3  }
0x1: {  	(tag) =	ssettag $0x0;
	lr =	simm.s32 $0x1  }
0x2: {  	[smem:$0x3F91] =	sst lr;
	_ =	strace $0xD0000000  }
0x3: {  	_ = 	snop  }
0x4: {  	_ = 	snop  }
0x5: {  	_ = 	snop  }
0x6: {  	_ = 	snop  }
0x7: {  	_ = 	snop  }
__scs_overlays_trampoline_lowered:
0x8: {  	[smem:$0x3FA0] =	sst s0  }
0x9: {  	[smem:$0x3FA1] =	sst s1  }
0xa: {  	[smem:$0x3FA2] =	sst s2  }
0xb: {  	[smem:$0x3FA3] =	sst s3  }
0xc: {  	[smem:$0x3FA4] =	sst s4  }
0xd: {  	[smem:$0x3FA5] =	sst s5  }
0xe: {  	[smem:$0x3FA6] =	sst s6  }
0xf: {  	[smem:$0x3FA7] =	sst s7  }
0x10: {  	[smem:$0x3FA8] =	sst s8  }
0x11: {  	[smem:$0x3FA9] =	sst s9;
	s0 =	simm.s32 @!p0 $0x0  }
0x12: {  	s1 =	sld [smem:$0x3F8F];
	s0 =	simm.s32 @p0 $0x1  }
0x13: {  	[smem:$0x3FAA] =	sst s0;
	s0 =	simm.s32 @!p1 $0x0  }
0x14: {  	s2 =	sld [smem:$0x3F8E];
	s0 =	simm.s32 @p1 $0x1  }
0x15: {  	[smem:$0x3FAB] =	sst s0;
	s0 =	simm.s32 @!p2 $0x0  }
0x16: {  	s3 =	sld [smem:$0x3FDB];
	s0 =	simm.s32 @p2 $0x1  }
0x17: {  	s4 =	simm.s32 $0x1BF5;
	[smem:$0x3FAD] =	sst s0  }
0x18: {  	s0 =	sld [smem:$0x3F90];
	_ =	swait.ge [sflag:s4], $0x0  }
0x19: {  	s7 =	sld [smem:$0x3F91]  }
0x1a: {  	s8 =	sadd.s32 $0xFFFFE003, lr  }
0x1b: {  	s9 =	sadd.s32 $0xFFFFFEF7, lr;
	s5 =	simm.s32 $0xFFFFFFFF;
	p2 =	slt.u32 s8, $0xFFFFF086  }
0x1c: {  	p1 =	slt.u32 s9, $0xF7A;
	s5 =	simm.s32 @!p2 $0x0  }
0x1d: {  	s5 =	simm.s32 @p1 $0x1;
	p0 =	seq.s32 s7, s2  }
0x1e: {  	s7 =	smul.u32 @!p0 $0xF7A, s2;
	p2 =	seq.s32 @!p0 s5, $0x0  }
0x1f: {  	s9 =	smul.u32 $0xF7A, s1;
	s8 =	simm.s32 @!p0 $0x1BF5;
	p2 =	por !p2, p0  }
0x20: {  	[sflag:s8] =	ssyncset.s32 @!p0 $0xFFFFF086;
	s6 =	sadd.s32 @!p0 s3, s7;
	s7 =	simm.s32 @!p0 $0x108  }
0x21: {  	s3 =	sadd.s32 s3, s9;
	s6 =	sadd.s32 @!p0 $0x88, s6;
	s7 =	simm.s32 @p2 $0x1082  }
0x22: {  	[simem:s7], [sflag:s8] =	dma.local @!p0 [hbm:s6], $0xF7A  }
0x23: {  	s9 =	sor.u32 $0xD0000000, s2;
	s6 =	simm.s32 $0x108;
	_ =	swait.ge @!p0 [sflag:s8], $0x0  }
0x24: {  	s3 =	sadd.s32 $0x88, s3;
	s6 =	simm.s32 @!p1 $0x1082;
	[sflag:s4] =	ssyncset.s32 $0xFFFFF086  }
0x25: {  	[simem:s6], [sflag:s4] =	dma.local [hbm:s3], $0xF7A  }
0x26: {  	[smem:$0x3F91] =	sst s1;
	(tag) =	ssettag s2;
	_ =	strace s9  }
0x27: {  	s1 =	sld [smem:$0x3FA1]  }
0x28: {  	s2 =	sld [smem:$0x3FA2]  }
0x29: {  	s4 =	sld [smem:$0x3FA4]  }
0x2a: {  	p0 =	seq.s32 s5, $0x0;
	s5 =	sld [smem:$0x3FA5]  }
0x2b: {  	s6 =	sld [smem:$0x3FA6]  }
0x2c: {  	s7 =	sld [smem:$0x3FA7]  }
0x2d: {  	s3 =	simm.s32 $0x108;
	s8 =	sld [smem:$0x3FA8]  }
0x2e: {  	s3 =	simm.s32 @!p0 $0x1082;
	s9 =	sld [smem:$0x3FA9]  }
0x2f: {  	lr =	sadd.s32 s0, s3;
	s0 =	sld [smem:$0x3FA0]  }
0x30: {  	s3 =	sld [smem:$0x3FA3]  }
0x31: {  	[smem:$0x3FAC] =	sst s10  }
0x32: {  	s10 =	sld [smem:$0x3FAA];
	_ =	sdelay $0x3  }
0x33: {  	p0 =	seq.s32 s10, $0x1;
	s10 =	sld [smem:$0x3FAC];
	_ =	sdelay $0x3  }
0x34: {  	[smem:$0x3FAC] =	sst s10  }
0x35: {  	s10 =	sld [smem:$0x3FAB];
	_ =	sdelay $0x3  }
0x36: {  	p1 =	seq.s32 s10, $0x1;
	s10 =	sld [smem:$0x3FAC];
	_ =	sdelay $0x3  }
0x37: {  	[smem:$0x3FAC] =	sst s10  }
0x38: {  	s10 =	sld [smem:$0x3FAD]  }
0x39: {  	_ = 	snop;
	(pc) =	sbr.ind lr, $3  }
0x3a: {  	_ = 	snop  }
0x3b: {  	_ = 	snop  }
0x3c: {  	p2 =	seq.s32 s10, $0x1;
	s10 =	sld [smem:$0x3FAC]  }
0x3d: {  	_ =	shalt  }
0x3e: {  	_ =	shalt  }
0x3f: {  	_ =	shalt  }
0x40: {  	_ =	shalt  }
0x41: {  	_ =	shalt  }
0x42: {  	_ =	shalt  }
0x43: {  	_ =	shalt  }
0x44: {  	_ =	shalt  }
0x45: {  	_ =	shalt  }
0x46: {  	_ =	shalt  }
0x47: {  	_ =	shalt  }
0x48: {  	_ =	shalt  }
0x49: {  	_ =	shalt  }
0x4a: {  	_ =	shalt  }
0x4b: {  	_ =	shalt  }
0x4c: {  	_ =	shalt  }
0x4d: {  	_ =	shalt  }
0x4e: {  	_ =	shalt  }
0x4f: {  	_ =	shalt  }
0x50: {  	_ =	shalt  }
0x51: {  	_ =	shalt  }
0x52: {  	_ =	shalt  }
0x53: {  	_ =	shalt  }
0x54: {  	_ =	shalt  }
0x55: {  	_ =	shalt  }
0x56: {  	_ =	shalt  }
0x57: {  	_ =	shalt  }
0x58: {  	_ =	shalt  }
0x59: {  	_ =	shalt  }
0x5a: {  	_ =	shalt  }
0x5b: {  	_ =	shalt  }
0x5c: {  	_ =	shalt  }
0x5d: {  	_ =	shalt  }
0x5e: {  	_ =	shalt  }
0x5f: {  	_ =	shalt  }
0x60: {  	_ =	shalt  }
0x61: {  	_ =	shalt  }
0x62: {  	_ =	shalt  }
0x63: {  	_ =	shalt  }
0x64: {  	_ =	shalt  }
0x65: {  	_ =	shalt  }
0x66: {  	_ =	shalt  }
0x67: {  	_ =	shalt  }
0x68: {  	_ =	shalt  }
0x69: {  	_ =	shalt  }
0x6a: {  	_ =	shalt  }
0x6b: {  	_ =	shalt  }
0x6c: {  	_ =	shalt  }
0x6d: {  	_ =	shalt  }
0x6e: {  	_ =	shalt  }
0x6f: {  	_ =	shalt  }
0x70: {  	_ =	shalt  }
0x71: {  	_ =	shalt  }
0x72: {  	_ =	shalt  }
0x73: {  	_ =	shalt  }
0x74: {  	_ =	shalt  }
0x75: {  	_ =	shalt  }
0x76: {  	_ =	shalt  }
0x77: {  	_ =	shalt  }
0x78: {  	_ =	shalt  }
0x79: {  	_ =	shalt  }
0x7a: {  	_ =	shalt  }
0x7b: {  	_ =	shalt  }
0x7c: {  	_ =	shalt  }
0x7d: {  	_ =	shalt  }
0x7e: {  	_ =	shalt  }
0x7f: {  	_ =	shalt  }
0x80: {  	_ =	shalt  }
0x81: {  	_ =	shalt  }
0x82: {  	_ =	shalt  }
0x83: {  	_ =	shalt  }
0x84: {  	_ =	shalt  }
0x85: {  	_ =	shalt  }
0x86: {  	_ =	shalt  }
0x87: {  	_ =	shalt  }
.Lfunc_end0:
.L_simem_size_0:
called_computation.1_lowered:
.L_overlay_start_0:
0x88: {  	s2 =	sld [smem:$0x3FD9]  }
0x89: {  	s3 =	sld [smem:$0x3FFE];
	_ =	sdelay $0x1  }
0x8a: {  	s1 =	srdreg.scid  }
0x8b: {  	s0 =	sand.u32 $0x1, s1  }
0x8c: {  	s16 =	sshll.u32 s0, $0xA;
	s2 =	sadd.s32 s3, s2  }
0x8d: {  	s2 =	sadd.s32 s2, s16  }
0x8e: {  	[smem:$0x3FB8] =	sst s2  }
0x8f: {  	_ = 	snop  }
0x90: {  	(tm) =	ssettm $0x1  }
0x91: {  	s17 =	sld [smem:$0x3FFB];
	_ =	sdelay $0x3  }
0x92: {  	_ =	strace s17  }
0x93: {  	s2 =	sld [smem:$0x3FFC];
	_ =	sdelay $0x3  }
0x94: {  	_ =	strace s2  }
0x95: {  	s2 =	sld [smem:$0x3FFD];
	_ =	sdelay $0x3  }
0x96: {  	_ =	strace s2  }
0x97: {  	_ =	strace $0x8FFFFFFF  }
0x98: {  	s18 =	sld [smem:$0x3FDB];
	_ =	sdelay $0x1  }
0x99: {  	s19 =	simm.s32 $_scs_section_size  }
0x9a: {  	s4 =	simm.s32 $_size__tile_overlayer_lowered;
	s5 =	simm.s32 $_tile_overlayer_lowered  }
0x9b: {  	s22 =	simm.s32 $0x1BFF;
	s21 =	sshll.u32 s5, $0x1;
	s2 =	sadd.s32 s19, s18  }
0x9c: {  	s6 =	simm.s32 $0x0;
	s20 =	sshll.u32 s4, $0x1;
	s4 =	sadd.s32 s21, s2  }
0x9d: {  	[timem:s6], [sflag:s22] =	dma.local [hbm:s4], s20  }
0x9e: {  	_ =	swait.ge [sflag:s22], s20  }
0x9f: {  	s3 =	ssub.s32 $0x0, s20;
	[sflag:s22] =	ssyncset.done $0x0  }
0xa0: {  	[sflag:s22] =	ssyncadd.s32 s3;
	_ =	sdelay $0x1  }
0xa1: {  	s23 =	simm.s32 $0x1B8B  }
0xa2: {  	_ =	swait.ge [sflag:s23], $0x1  }
0xa3: {  	[sflag:s23] =	ssyncset.done $0x0  }
0xa4: {  	s25 =	simm.s32 $0x1B8E;
	s24 =	sld [smem:$0x3FFE];
	[sflag:s23] =	ssyncadd.s32 $0xFFFFFFFF  }
0xa5: {  	s26 =	simm.s32 $execute0_lowered;
	[smem:$0x3FD2] =	sst s25  }
0xa6: {  	s4 =	sshll.u32 s26, $0x1;
	_ =	strace $0x80000049;
	[dreg:$0x1] =	wrdreg $0xFFFFFFFF  }
0xa7: {  	s28 =	simm.s32 $_size_execute0_lowered;
	s2 =	sadd.s32 s2, s4;
	[dreg:$0x0] =	wrdreg $0x0  }
0xa8: {  	s4 =	sshll.u32 s28, $0x1;
	[dreg:$0x2] =	wrdreg s2  }
0xa9: {  	[dreg:$0x3] =	wrdreg s4  }
0xaa: {  	[dreg:$0x4] =	wrdreg $0xC0  }
0xab: {  	_ =	task [dreg:s6], $0x5FFFF  }
0xac: {  	[dreg:$0x1] =	wrdreg $0xFFFFFFFF  }
0xad: {  	[dreg:$0x0] =	wrdreg $0x60  }
0xae: {  	[dreg:$0x2] =	wrdreg s24  }
0xaf: {  	[dreg:$0x3] =	wrdreg $0x90000  }
0xb0: {  	[dreg:$0x4] =	wrdreg $0x9  }
0xb1: {  	_ =	task.clear_ibuf [dreg:s6], $0x5FFFF;
	_ =	strace $0x90000049  }
0xb2: {  	s29 =	simm.s32 $0x9;
	_ =	strace $0x8000004B  }
0xb3: {  	_ =	swait.ge [sflag:s29], $0x1  }
0xb4: {  	[sflag:s29] =	ssyncadd.s32 $0xFFFFFFFF  }
0xb5: {  	_ =	strace $0x9000004B  }
0xb6: {  	_ =	sfence  }
0xb7: {  	s30 =	sld [smem:$0x0];
	_ =	sdelay $0x2  }
0xb8: {  	s31 =	sshll.u32 s1, $0xD;
	s1 =	sshrl.u32 s1, $0x2  }
0xb9: {  	s3 =	sand.u32 $0x4000, s31;
	s1 =	sadd.s32 s1, s30  }
0xba: {  	s0 =	sor.u32 s3, s0;
	s1 =	sshll.u32 s1, $0x11  }
0xbb: {  	s0 =	sor.u32 s1, s0  }
0xbc: {  	s0 =	sadd.s32 $0x8F2B, s0  }
0xbd: {  	[sflag:s0] =	ssyncadd.remote.s32 $0x1  }
0xbe: {  	_ =	sfence.sel $0xFFFF  }
0xbf: {  	[dreg:$0x0] =	wrdreg $0xFFFFFFFF;
	(pc) =	sbr.abs _section_cstart, $3  }
0xc0: {  	[dreg:$0x1] =	wrdreg $0xFFFFFFFF  }
0xc1: {  	_ =	task.clear_ibuf [dreg:s6], $0x2FFFF;
	_ =	strace $0x9FFFFFFF  }
0xc2: {  	(tm) =	ssettm $0x7FFFFFFF  }
0xc3: {  	_ =	shalt  }
tec
execute0_lowered:
.L_overlay_start_1:
0x0: {  	(tag) =	ssettag $0x1  }
0x1: {  	s6 =	rddreg [dreg:$0x0]  }
0x2: {  	s0 =	srdreg.scid;
	s2 =	rddreg [dreg:$0x1];
	s3 =	simm.s32 $0x0  }
0x3: {  	s11 =	simm.s32 $0x2800;
	s14 =	simm.s32 $0x80;
	s15 =	simm.s32 $0x5000  }
0x4: {  	s16 =	simm.s32 $0x7000;
	s17 =	simm.s32 $0x1;
	s18 =	simm.s32 $0x2  }
0x5: {  	s19 =	simm.s32 $0x2780;
	s20 =	simm.s32 $0x4F00;
	s21 =	simm.s32 $0x4F80  }
0x6: {  	s22 =	simm.s32 $0x0;
	s5 =	sand.u32 $0x1, s0;
	s0 =	stileid.u32  }
0x7: {  	[smem:$0x7FF] =	sst s3;
	s4 =	sadd.s32 $0x2200, s6;
	s8 =	smul.u32 $0x13C0, s0  }
0x8: {  	s1 =	sshll.u32 s5, $0x4;
	s9 =	smul.u32 $0x13C00, s5;
	s30 =	ssub.s32 $0x2, s5  }
0x9: {  	s10 =	smul.u32 $0x27800, s0;
	s5 =	sadd.s32 $0x29C00, s6;
	s12 =	sshll.u32 s0, $0x6  }
0xa: {  	s1 =	sor.u32 s0, s1;
	s31 =	sshrl.u32 s30, $0x1;
	s12 =	sor.u32 $0x1C03, s12  }
0xb: {  	s7 =	smul.u32 $0x500, s1;
	s1 =	rddreg [dreg:$0x2];
	_ =	strace $0x8000004A  }
0xc: {  	s8 =	sadd.s32 s8, s9;
	s9 =	ssub.s32 s30, s31;
	s10 =	sshrl.u32 s10, $0x2  }
0xd: {  	s8 =	sadd.s32 s8, s6;
	s13 =	sadd.s32 s10, s2;
	s9 =	smax.u32 s9, $0x1  }
0xe: {  	s10 =	simm.s32 $0x3;
	s7 =	sadd.s32 s7, s6;
	s8 =	sadd.s32 $0x2B000, s8  }
0xf: {  	s13 =	sshrl.u32 s13, $0x3;
	s6 =	sadd.s32 $0x1FC00, s7;
	s7 =	sadd.s32 $0x15C00, s7  }
.LBB2_1:
0x10: {  	[tilespmem:s3], [sflag:$0x3] =	stream.linear.gather [hbm4b:s6+s3], $0x2800, $0x38;
	[tilespmem:$0x12E00] =	vst v63  }
0x11: {  	_ =	swait.ge [sflag:s10], $0x2800  }
0x12: {  	[sflag:s10] =	ssyncset.done $0x0  }
0x13: {  	[sflag:s10] =	ssyncadd.s32 $0xFFFFD800  }
0x14: {  	[tilespmem:s11], [sflag:$0x3] =	stream.linear.gather [hbm4b:s7+s3], $0x2800, $0x38;
	[tilespmem:$0x12E00] =	vst v63  }
0x15: {  	_ =	swait.ge [sflag:s10], $0x2800  }
0x16: {  	[sflag:s10] =	ssyncset.done $0x0  }
0x17: {  	[sflag:s10] =	ssyncadd.s32 $0xFFFFD800  }
0x18: {  	[spmem:s13], [sflag:s12] =	dma.local [hbm:s5], $0x13C0  }
0x19: {  	_ =	swait.ge [sflag:s10], $0x13C0  }
0x1a: {  	[sflag:s10] =	ssyncset.done $0x0  }
0x1b: {  	[sflag:s10] =	ssyncadd.s32 $0xFFFFEC40  }
0x1c: {  	[bflag:$0x0] =	sbarrier.arrive $0xFFFF  }
0x1d: {  	[tilespmem:s15], [sflag:$0x1] =	stream.indirect.gather [hbm4b:s4+s14], $0x40, s3, s14, $0xb8;
	[tilespmem:$0x12E00] =	vst v63  }
0x1e: {  	s23 =	simm.s32 $0x80  }
0x1f: {  	[tilespmem:s16], [sflag:$0x2] =	stream.indirect.gather [hbm4b:s4+s14], $0x40, s23, s14, $0xb8;
	[tilespmem:$0x12E00] =	vst v63  }
0x20: {  	_ =	swait.ge [sflag:s17], $0x2000  }
0x21: {  	[sflag:s17] =	ssyncset.done $0x0  }
0x22: {  	s29 =	simm.s32 $0x2800;
	[sflag:s17] =	ssyncadd.s32 $0xFFFFE000  }
0x23: {  	[spmem:s2] =	stream.indirect.scatter.add.f32 [tilespmem:s15], [sflag:$0x3], $0x40, s29, s14, $0xb8;
	[tilespmem:$0x12E00] =	vst v63  }
0x24: {  	_ =	swait.ge [sflag:s10], $0x2000  }
0x25: {  	[sflag:s10] =	ssyncset.done $0x0  }
0x26: {  	s30 =	simm.s32 $0x100;
	[sflag:s10] =	ssyncadd.s32 $0xFFFFE000  }
0x27: {  	[tilespmem:s15], [sflag:$0x1] =	stream.indirect.gather [hbm4b:s4+s14], $0x40, s30, s14, $0xb8;
	[tilespmem:$0x12E00] =	vst v63  }
0x28: {  	_ =	swait.ge [sflag:s18], $0x2000  }
0x29: {  	[sflag:s18] =	ssyncset.done $0x0  }
0x2a: {  	s31 =	simm.s32 $0x2880;
	[sflag:s18] =	ssyncadd.s32 $0xFFFFE000  }
0x2b: {  	[spmem:s2] =	stream.indirect.scatter.add.f32 [tilespmem:s16], [sflag:$0x3], $0x40, s31, s14, $0xb8;
	[tilespmem:$0x12E00] =	vst v63  }
0x2c: {  	_ =	swait.ge [sflag:s10], $0x2000  }
0x2d: {  	s24 =	simm.s32 $0x800;
	s23 =	simm.s32 $0x100;
	[sflag:s10] =	ssyncset.done $0x0  }
.LBB2_2:
0x2e: {  	s25 =	sadd.s32 $0x80, s23  }
0x2f: {  	[sflag:s10] =	ssyncadd.s32 $0xFFFFE000;
	s26 =	smov.u32 s24;
	s28 =	sadd.s32 $0x400, s24  }
0x30: {  	[tilespmem:s16], [sflag:$0x2] =	stream.indirect.gather [hbm4b:s4+s14], $0x40, s25, s14, $0xb8;
	[tilespmem:$0x12E00] =	vst v63  }
0x31: {  	p0 =	sne.s32 s24, $0x9800;
	_ =	swait.ge [sflag:s17], $0x2000  }
0x32: {  	[sflag:s17] =	ssyncset.done $0x0  }
0x33: {  	s24 =	sadd.s32 $0x2800, s23;
	[sflag:s17] =	ssyncadd.s32 $0xFFFFE000  }
0x34: {  	[spmem:s2] =	stream.indirect.scatter.add.f32 [tilespmem:s15], [sflag:$0x3], $0x40, s24, s14, $0xb8;
	[tilespmem:$0x12E00] =	vst v63  }
0x35: {  	_ =	swait.ge [sflag:s10], $0x2000  }
0x36: {  	[sflag:s10] =	ssyncset.done $0x0  }
0x37: {  	s24 =	sadd.s32 $0x100, s23;
	[sflag:s10] =	ssyncadd.s32 $0xFFFFE000  }
0x38: {  	[tilespmem:s15], [sflag:$0x1] =	stream.indirect.gather [hbm4b:s4+s14], $0x40, s24, s14, $0xb8;
	[tilespmem:$0x12E00] =	vst v63  }
0x39: {  	_ =	swait.ge [sflag:s18], $0x2000  }
.Ltmp0:
0x3a: {  	[sflag:s18] =	ssyncset.done $0x0;
	(pc) =	sbr.rel @p0 .LBB2_2-.Ltmp0, $4  }
0x3b: {  	s23 =	sadd.s32 $0x2880, s23;
	[sflag:s18] =	ssyncadd.s32 $0xFFFFE000  }
0x3c: {  	[spmem:s2] =	stream.indirect.scatter.add.f32 [tilespmem:s16], [sflag:$0x3], $0x40, s23, s14, $0xb8;
	[tilespmem:$0x12E00] =	vst v63  }
0x3d: {  	_ =	swait.ge [sflag:s10], $0x2000  }
0x3e: {  	s24 =	smov.u32 s28;
	s23 =	sshra.s32 s26, $0x2;
	[sflag:s10] =	ssyncset.done $0x0  }
0x3f: {  	s24 =	sadd.s32 $0x80, s23;
	[sflag:s10] =	ssyncadd.s32 $0xFFFFE000  }
0x40: {  	[tilespmem:s16], [sflag:$0x2] =	stream.indirect.gather [hbm4b:s4+s14], $0x40, s24, s14, $0xb8;
	[tilespmem:$0x12E00] =	vst v63  }
0x41: {  	_ =	swait.ge [sflag:s17], $0x2000  }
0x42: {  	[sflag:s17] =	ssyncset.done $0x0  }
0x43: {  	s29 =	sadd.s32 $0x2800, s23;
	[sflag:s17] =	ssyncadd.s32 $0xFFFFE000  }
0x44: {  	[spmem:s2] =	stream.indirect.scatter.add.f32 [tilespmem:s15], [sflag:$0x3], $0x40, s29, s14, $0xb8;
	[tilespmem:$0x12E00] =	vst v63  }
0x45: {  	_ =	swait.ge [sflag:s10], $0x2000  }
0x46: {  	[sflag:s10] =	ssyncset.done $0x0  }
0x47: {  	s30 =	sadd.s32 $0x100, s23;
	[sflag:s10] =	ssyncadd.s32 $0xFFFFE000  }
0x48: {  	[tilespmem:s15], [sflag:$0x1] =	stream.indirect.gather [hbm4b:s4+s14], $0x40, s30, s14, $0xb8;
	[tilespmem:$0x12E00] =	vst v63  }
0x49: {  	_ =	swait.ge [sflag:s18], $0x2000  }
0x4a: {  	[sflag:s18] =	ssyncset.done $0x0  }
0x4b: {  	s31 =	sadd.s32 $0x2880, s23;
	[sflag:s18] =	ssyncadd.s32 $0xFFFFE000  }
0x4c: {  	[spmem:s2] =	stream.indirect.scatter.add.f32 [tilespmem:s16], [sflag:$0x3], $0x40, s31, s14, $0xb8;
	[tilespmem:$0x12E00] =	vst v63  }
0x4d: {  	_ =	swait.ge [sflag:s10], $0x2000  }
0x4e: {  	[sflag:s10] =	ssyncset.done $0x0  }
0x4f: {  	[sflag:s10] =	ssyncadd.s32 $0xFFFFE000  }
0x50: {  	[tilespmem:s16], [sflag:$0x2] =	stream.indirect.gather [hbm4b:s4+s14], $0x40, s19, s14, $0xb8;
	[tilespmem:$0x12E00] =	vst v63  }
0x51: {  	_ =	swait.ge [sflag:s17], $0x2000  }
0x52: {  	[sflag:s17] =	ssyncset.done $0x0  }
0x53: {  	[sflag:s17] =	ssyncadd.s32 $0xFFFFE000  }
0x54: {  	[spmem:s2] =	stream.indirect.scatter.add.f32 [tilespmem:s15], [sflag:$0x3], $0x40, s20, s14, $0xb8;
	[tilespmem:$0x12E00] =	vst v63  }
0x55: {  	_ =	swait.ge [sflag:s10], $0x2000  }
0x56: {  	[sflag:s10] =	ssyncset.done $0x0  }
0x57: {  	[sflag:s10] =	ssyncadd.s32 $0xFFFFE000  }
0x58: {  	_ =	swait.ge [sflag:s18], $0x2000  }
0x59: {  	[sflag:s18] =	ssyncset.done $0x0  }
0x5a: {  	[sflag:s18] =	ssyncadd.s32 $0xFFFFE000  }
0x5b: {  	[spmem:s2] =	stream.indirect.scatter.add.f32 [tilespmem:s16], [sflag:$0x3], $0x40, s21, s14, $0xb8;
	[tilespmem:$0x12E00] =	vst v63  }
0x5c: {  	_ =	swait.ge [sflag:s10], $0x2000  }
0x5d: {  	s22 =	sadd.s32 $0x1, s22;
	[sflag:s10] =	ssyncset.done $0x0  }
0x5e: {  	p0 =	sne.s32 s22, s9;
	[sflag:s10] =	ssyncadd.s32 $0xFFFFE000  }
.Ltmp1:
0x5f: {  	[bflag:$0x0] =	sbarrier.arrive $0xFFFF;
	(pc) =	sbr.rel @p0 .LBB2_1-.Ltmp1, $4  }
0x60: {  	[hbm:s8], [sflag:s12] =	dma.local [spmem:s13], $0x13C0  }
0x61: {  	_ =	swait.ge [sflag:s10], $0x13C0  }
0x62: {  	[sflag:s10] =	ssyncset.done $0x0  }
0x63: {  	[sflag:s10] =	ssyncadd.s32 $0xFFFFEC40  }
0x64: {  	_ =	sfence.sel $0x180000  }
0x65: {  	[bflag:$0x0] =	sbarrier.arrive $0xFFFF  }
0x66: {  	p0 =	sne.s32 s0, $0x0;
	_ =	strace $0x9000004A  }
0x67: {  	s0 =	sadd.s32 @!p0 $0x100000, s1;
	[bflag:$0x2] =	sbarrier.arrive $0xFFFF  }
0x68: {  	[sflag:s0] =	ssyncadd.tile.s32 @!p0 $0x1;
	_ =	shalt  }
.Lfunc_end2:
_tile_overlayer_lowered:
.L_overlay_start_2:
0x69: {  	(tag) =	ssettag $0x2  }
0x6a: {  	s0 =	rddreg [dreg:$0x0];
	s2 =	stileid.u32  }
0x6b: {  	s1 =	rddreg [dreg:$0x1];
	p0 =	sne.s32 s2, $0x0  }
0x6c: {  	s3 =	rddreg [dreg:$0x2];
	[bflag:$0x3] =	sbarrier.arrive $0xFFFF;
	s2 =	simm.s32 @!p0 $0x1C03  }
0x6d: {  	[timem:s3], [sflag:s2] =	dma.local @!p0 [hbm:s0], s1  }
0x6e: {  	s0 =	simm.s32 @!p0 $0x3  }
0x6f: {  	_ =	swait.ge @!p0 [sflag:s0], s1  }
0x70: {  	s1 =	ssub.s32 @!p0 $0x0, s1;
	[sflag:s0] =	ssyncset.done @!p0 $0x0  }
0x71: {  	[sflag:s0] =	ssyncadd.s32 @!p0 s1  }
0x72: {  	[bflag:$0x3] =	sbarrier.arrive $0xFFFF  }
0x73: {  	_ =	shalt  }

// kernel: kernel.15.cloned.1.call-start
scs
__scs_entry_jumppad:
0x0: {  	(pc) =	sbr.rel $0x88, $3  }
0x1: {  	(tag) =	ssettag $0x0;
	lr =	simm.s32 $0x1  }
0x2: {  	[smem:$0x3F91] =	sst lr;
	_ =	strace $0xD0000000  }
0x3: {  	_ = 	snop  }
0x4: {  	_ = 	snop  }
0x5: {  	_ = 	snop  }
0x6: {  	_ = 	snop  }
0x7: {  	_ = 	snop  }
__scs_overlays_trampoline_lowered:
0x8: {  	[smem:$0x3FA0] =	sst s0  }
0x9: {  	[smem:$0x3FA1] =	sst s1  }
0xa: {  	[smem:$0x3FA2] =	sst s2  }
0xb: {  	[smem:$0x3FA3] =	sst s3  }
0xc: {  	[smem:$0x3FA4] =	sst s4  }
0xd: {  	[smem:$0x3FA5] =	sst s5  }
0xe: {  	[smem:$0x3FA6] =	sst s6  }
0xf: {  	[smem:$0x3FA7] =	sst s7  }
0x10: {  	[smem:$0x3FA8] =	sst s8  }
0x11: {  	[smem:$0x3FA9] =	sst s9;
	s0 =	simm.s32 @!p0 $0x0  }
0x12: {  	s1 =	sld [smem:$0x3F8F];
	s0 =	simm.s32 @p0 $0x1  }
0x13: {  	[smem:$0x3FAA] =	sst s0;
	s0 =	simm.s32 @!p1 $0x0  }
0x14: {  	s2 =	sld [smem:$0x3F8E];
	s0 =	simm.s32 @p1 $0x1  }
0x15: {  	[smem:$0x3FAB] =	sst s0;
	s0 =	simm.s32 @!p2 $0x0  }
0x16: {  	s3 =	sld [smem:$0x3FDB];
	s0 =	simm.s32 @p2 $0x1  }
0x17: {  	s4 =	simm.s32 $0x1BF5;
	[smem:$0x3FAD] =	sst s0  }
0x18: {  	s0 =	sld [smem:$0x3F90];
	_ =	swait.ge [sflag:s4], $0x0  }
0x19: {  	s7 =	sld [smem:$0x3F91]  }
0x1a: {  	s8 =	sadd.s32 $0xFFFFE003, lr  }
0x1b: {  	s9 =	sadd.s32 $0xFFFFFEF7, lr;
	s5 =	simm.s32 $0xFFFFFFFF;
	p2 =	slt.u32 s8, $0xFFFFF086  }
0x1c: {  	p1 =	slt.u32 s9, $0xF7A;
	s5 =	simm.s32 @!p2 $0x0  }
0x1d: {  	s5 =	simm.s32 @p1 $0x1;
	p0 =	seq.s32 s7, s2  }
0x1e: {  	s7 =	smul.u32 @!p0 $0xF7A, s2;
	p2 =	seq.s32 @!p0 s5, $0x0  }
0x1f: {  	s9 =	smul.u32 $0xF7A, s1;
	s8 =	simm.s32 @!p0 $0x1BF5;
	p2 =	por !p2, p0  }
0x20: {  	[sflag:s8] =	ssyncset.s32 @!p0 $0xFFFFF086;
	s6 =	sadd.s32 @!p0 s3, s7;
	s7 =	simm.s32 @!p0 $0x108  }
0x21: {  	s3 =	sadd.s32 s3, s9;
	s6 =	sadd.s32 @!p0 $0x88, s6;
	s7 =	simm.s32 @p2 $0x1082  }
0x22: {  	[simem:s7], [sflag:s8] =	dma.local @!p0 [hbm:s6], $0xF7A  }
0x23: {  	s9 =	sor.u32 $0xD0000000, s2;
	s6 =	simm.s32 $0x108;
	_ =	swait.ge @!p0 [sflag:s8], $0x0  }
0x24: {  	s3 =	sadd.s32 $0x88, s3;
	s6 =	simm.s32 @!p1 $0x1082;
	[sflag:s4] =	ssyncset.s32 $0xFFFFF086  }
0x25: {  	[simem:s6], [sflag:s4] =	dma.local [hbm:s3], $0xF7A  }
0x26: {  	[smem:$0x3F91] =	sst s1;
	(tag) =	ssettag s2;
	_ =	strace s9  }
0x27: {  	s1 =	sld [smem:$0x3FA1]  }
0x28: {  	s2 =	sld [smem:$0x3FA2]  }
0x29: {  	s4 =	sld [smem:$0x3FA4]  }
0x2a: {  	p0 =	seq.s32 s5, $0x0;
	s5 =	sld [smem:$0x3FA5]  }
0x2b: {  	s6 =	sld [smem:$0x3FA6]  }
0x2c: {  	s7 =	sld [smem:$0x3FA7]  }
0x2d: {  	s3 =	simm.s32 $0x108;
	s8 =	sld [smem:$0x3FA8]  }
0x2e: {  	s3 =	simm.s32 @!p0 $0x1082;
	s9 =	sld [smem:$0x3FA9]  }
0x2f: {  	lr =	sadd.s32 s0, s3;
	s0 =	sld [smem:$0x3FA0]  }
0x30: {  	s3 =	sld [smem:$0x3FA3]  }
0x31: {  	[smem:$0x3FAC] =	sst s10  }
0x32: {  	s10 =	sld [smem:$0x3FAA];
	_ =	sdelay $0x3  }
0x33: {  	p0 =	seq.s32 s10, $0x1;
	s10 =	sld [smem:$0x3FAC];
	_ =	sdelay $0x3  }
0x34: {  	[smem:$0x3FAC] =	sst s10  }
0x35: {  	s10 =	sld [smem:$0x3FAB];
	_ =	sdelay $0x3  }
0x36: {  	p1 =	seq.s32 s10, $0x1;
	s10 =	sld [smem:$0x3FAC];
	_ =	sdelay $0x3  }
0x37: {  	[smem:$0x3FAC] =	sst s10  }
0x38: {  	s10 =	sld [smem:$0x3FAD]  }
0x39: {  	_ = 	snop;
	(pc) =	sbr.ind lr, $3  }
0x3a: {  	_ = 	snop  }
0x3b: {  	_ = 	snop  }
0x3c: {  	p2 =	seq.s32 s10, $0x1;
	s10 =	sld [smem:$0x3FAC]  }
0x3d: {  	_ =	shalt  }
0x3e: {  	_ =	shalt  }
0x3f: {  	_ =	shalt  }
0x40: {  	_ =	shalt  }
0x41: {  	_ =	shalt  }
0x42: {  	_ =	shalt  }
0x43: {  	_ =	shalt  }
0x44: {  	_ =	shalt  }
0x45: {  	_ =	shalt  }
0x46: {  	_ =	shalt  }
0x47: {  	_ =	shalt  }
0x48: {  	_ =	shalt  }
0x49: {  	_ =	shalt  }
0x4a: {  	_ =	shalt  }
0x4b: {  	_ =	shalt  }
0x4c: {  	_ =	shalt  }
0x4d: {  	_ =	shalt  }
0x4e: {  	_ =	shalt  }
0x4f: {  	_ =	shalt  }
0x50: {  	_ =	shalt  }
0x51: {  	_ =	shalt  }
0x52: {  	_ =	shalt  }
0x53: {  	_ =	shalt  }
0x54: {  	_ =	shalt  }
0x55: {  	_ =	shalt  }
0x56: {  	_ =	shalt  }
0x57: {  	_ =	shalt  }
0x58: {  	_ =	shalt  }
0x59: {  	_ =	shalt  }
0x5a: {  	_ =	shalt  }
0x5b: {  	_ =	shalt  }
0x5c: {  	_ =	shalt  }
0x5d: {  	_ =	shalt  }
0x5e: {  	_ =	shalt  }
0x5f: {  	_ =	shalt  }
0x60: {  	_ =	shalt  }
0x61: {  	_ =	shalt  }
0x62: {  	_ =	shalt  }
0x63: {  	_ =	shalt  }
0x64: {  	_ =	shalt  }
0x65: {  	_ =	shalt  }
0x66: {  	_ =	shalt  }
0x67: {  	_ =	shalt  }
0x68: {  	_ =	shalt  }
0x69: {  	_ =	shalt  }
0x6a: {  	_ =	shalt  }
0x6b: {  	_ =	shalt  }
0x6c: {  	_ =	shalt  }
0x6d: {  	_ =	shalt  }
0x6e: {  	_ =	shalt  }
0x6f: {  	_ =	shalt  }
0x70: {  	_ =	shalt  }
0x71: {  	_ =	shalt  }
0x72: {  	_ =	shalt  }
0x73: {  	_ =	shalt  }
0x74: {  	_ =	shalt  }
0x75: {  	_ =	shalt  }
0x76: {  	_ =	shalt  }
0x77: {  	_ =	shalt  }
0x78: {  	_ =	shalt  }
0x79: {  	_ =	shalt  }
0x7a: {  	_ =	shalt  }
0x7b: {  	_ =	shalt  }
0x7c: {  	_ =	shalt  }
0x7d: {  	_ =	shalt  }
0x7e: {  	_ =	shalt  }
0x7f: {  	_ =	shalt  }
0x80: {  	_ =	shalt  }
0x81: {  	_ =	shalt  }
0x82: {  	_ =	shalt  }
0x83: {  	_ =	shalt  }
0x84: {  	_ =	shalt  }
0x85: {  	_ =	shalt  }
0x86: {  	_ =	shalt  }
0x87: {  	_ =	shalt  }
.Lfunc_end0:
.L_simem_size_0:
called_computation.2_lowered:
.L_overlay_start_0:
0x88: {  	s2 =	sld [smem:$0x3FD9]  }
0x89: {  	s3 =	sld [smem:$0x3FFE];
	_ =	sdelay $0x1  }
0x8a: {  	s1 =	srdreg.scid  }
0x8b: {  	s0 =	sand.u32 $0x1, s1  }
0x8c: {  	s16 =	sshll.u32 s0, $0xA;
	s2 =	sadd.s32 s3, s2  }
0x8d: {  	s2 =	sadd.s32 s2, s16  }
0x8e: {  	[smem:$0x3FB8] =	sst s2  }
0x8f: {  	_ = 	snop  }
0x90: {  	(tm) =	ssettm $0x1  }
0x91: {  	s17 =	sld [smem:$0x3FFB];
	_ =	sdelay $0x3  }
0x92: {  	_ =	strace s17  }
0x93: {  	s2 =	sld [smem:$0x3FFC];
	_ =	sdelay $0x3  }
0x94: {  	_ =	strace s2  }
0x95: {  	s2 =	sld [smem:$0x3FFD];
	_ =	sdelay $0x3  }
0x96: {  	_ =	strace s2  }
0x97: {  	_ =	strace $0x8FFFFFFF  }
0x98: {  	s18 =	sld [smem:$0x3FDB];
	_ =	sdelay $0x1  }
0x99: {  	s19 =	simm.s32 $_scs_section_size  }
0x9a: {  	s4 =	simm.s32 $_size__tile_overlayer_lowered;
	s5 =	simm.s32 $_tile_overlayer_lowered  }
0x9b: {  	s22 =	simm.s32 $0x1BFF;
	s21 =	sshll.u32 s5, $0x1;
	s2 =	sadd.s32 s19, s18  }
0x9c: {  	s6 =	simm.s32 $0x0;
	s20 =	sshll.u32 s4, $0x1;
	s4 =	sadd.s32 s21, s2  }
0x9d: {  	[timem:s6], [sflag:s22] =	dma.local [hbm:s4], s20  }
0x9e: {  	_ =	swait.ge [sflag:s22], s20  }
0x9f: {  	s3 =	ssub.s32 $0x0, s20;
	[sflag:s22] =	ssyncset.done $0x0  }
0xa0: {  	[sflag:s22] =	ssyncadd.s32 s3;
	_ =	sdelay $0x1  }
0xa1: {  	s23 =	simm.s32 $0x1B8B  }
0xa2: {  	_ =	swait.ge [sflag:s23], $0x1  }
0xa3: {  	[sflag:s23] =	ssyncset.done $0x0  }
0xa4: {  	s25 =	simm.s32 $0x1B8E;
	s24 =	sld [smem:$0x3FFE];
	[sflag:s23] =	ssyncadd.s32 $0xFFFFFFFF  }
0xa5: {  	s26 =	simm.s32 $execute0_lowered;
	[smem:$0x3FD2] =	sst s25  }
0xa6: {  	s4 =	sshll.u32 s26, $0x1;
	_ =	strace $0x8000004C;
	[dreg:$0x1] =	wrdreg $0xFFFFFFFF  }
0xa7: {  	s28 =	simm.s32 $_size_execute0_lowered;
	s2 =	sadd.s32 s2, s4;
	[dreg:$0x0] =	wrdreg $0x0  }
0xa8: {  	s4 =	sshll.u32 s28, $0x1;
	[dreg:$0x2] =	wrdreg s2  }
0xa9: {  	[dreg:$0x3] =	wrdreg s4  }
0xaa: {  	[dreg:$0x4] =	wrdreg $0xC0  }
0xab: {  	_ =	task [dreg:s6], $0x5FFFF  }
0xac: {  	[dreg:$0x1] =	wrdreg $0xFFFFFFFF  }
0xad: {  	[dreg:$0x0] =	wrdreg $0x60  }
0xae: {  	[dreg:$0x2] =	wrdreg s24  }
0xaf: {  	[dreg:$0x3] =	wrdreg $0x90000  }
0xb0: {  	[dreg:$0x4] =	wrdreg $0x9  }
0xb1: {  	_ =	task.clear_ibuf [dreg:s6], $0x5FFFF;
	_ =	strace $0x9000004C  }
0xb2: {  	s29 =	simm.s32 $0x9;
	_ =	strace $0x8000004E  }
0xb3: {  	_ =	swait.ge [sflag:s29], $0x1  }
0xb4: {  	[sflag:s29] =	ssyncadd.s32 $0xFFFFFFFF  }
0xb5: {  	_ =	strace $0x9000004E  }
0xb6: {  	_ =	sfence  }
0xb7: {  	s30 =	sld [smem:$0x0];
	_ =	sdelay $0x2  }
0xb8: {  	s31 =	sshll.u32 s1, $0xD;
	s1 =	sshrl.u32 s1, $0x2  }
0xb9: {  	s3 =	sand.u32 $0x4000, s31;
	s1 =	sadd.s32 s1, s30  }
0xba: {  	s0 =	sor.u32 s3, s0;
	s1 =	sshll.u32 s1, $0x11  }
0xbb: {  	s0 =	sor.u32 s1, s0  }
0xbc: {  	s0 =	sadd.s32 $0x8F2B, s0  }
0xbd: {  	[sflag:s0] =	ssyncadd.remote.s32 $0x1  }
0xbe: {  	_ =	sfence.sel $0xFFFF  }
0xbf: {  	[dreg:$0x0] =	wrdreg $0xFFFFFFFF;
	(pc) =	sbr.abs _section_cstart, $3  }
0xc0: {  	[dreg:$0x1] =	wrdreg $0xFFFFFFFF  }
0xc1: {  	_ =	task.clear_ibuf [dreg:s6], $0x2FFFF;
	_ =	strace $0x9FFFFFFF  }
0xc2: {  	(tm) =	ssettm $0x7FFFFFFF  }
0xc3: {  	_ =	shalt  }
tec
execute0_lowered:
.L_overlay_start_1:
0x0: {  	(tag) =	ssettag $0x1  }
0x1: {  	s6 =	rddreg [dreg:$0x0]  }
0x2: {  	s0 =	srdreg.scid;
	s2 =	rddreg [dreg:$0x1];
	s3 =	simm.s32 $0x0  }
0x3: {  	s11 =	simm.s32 $0x2800;
	s14 =	simm.s32 $0x80;
	s15 =	simm.s32 $0x5000  }
0x4: {  	s16 =	simm.s32 $0x7000;
	s17 =	simm.s32 $0x1;
	s18 =	simm.s32 $0x2  }
0x5: {  	s19 =	simm.s32 $0x2780;
	s20 =	simm.s32 $0x4F00;
	s21 =	simm.s32 $0x4F80  }
0x6: {  	s22 =	simm.s32 $0x0;
	s5 =	sand.u32 $0x1, s0;
	s0 =	stileid.u32  }
0x7: {  	[smem:$0x7FF] =	sst s3;
	s4 =	sadd.s32 $0x2200, s6;
	s8 =	smul.u32 $0x13C0, s0  }
0x8: {  	s1 =	sshll.u32 s5, $0x4;
	s9 =	smul.u32 $0x13C00, s5;
	s30 =	ssub.s32 $0x2, s5  }
0x9: {  	s10 =	smul.u32 $0x27800, s0;
	s5 =	sadd.s32 $0x29C00, s6;
	s12 =	sshll.u32 s0, $0x6  }
0xa: {  	s1 =	sor.u32 s0, s1;
	s31 =	sshrl.u32 s30, $0x1;
	s12 =	sor.u32 $0x1C03, s12  }
0xb: {  	s7 =	smul.u32 $0x500, s1;
	s1 =	rddreg [dreg:$0x2];
	_ =	strace $0x8000004D  }
0xc: {  	s8 =	sadd.s32 s8, s9;
	s9 =	ssub.s32 s30, s31;
	s10 =	sshrl.u32 s10, $0x2  }
0xd: {  	s8 =	sadd.s32 s8, s6;
	s13 =	sadd.s32 s10, s2;
	s9 =	smax.u32 s9, $0x1  }
0xe: {  	s10 =	simm.s32 $0x3;
	s7 =	sadd.s32 s7, s6;
	s8 =	sadd.s32 $0x2B000, s8  }
0xf: {  	s13 =	sshrl.u32 s13, $0x3;
	s6 =	sadd.s32 $0x1FC00, s7;
	s7 =	sadd.s32 $0x15C00, s7  }
.LBB2_1:
0x10: {  	[tilespmem:s3], [sflag:$0x3] =	stream.linear.gather [hbm4b:s6+s3], $0x2800, $0x38;
	[tilespmem:$0x12E00] =	vst v63  }
0x11: {  	_ =	swait.ge [sflag:s10], $0x2800  }
0x12: {  	[sflag:s10] =	ssyncset.done $0x0  }
0x13: {  	[sflag:s10] =	ssyncadd.s32 $0xFFFFD800  }
0x14: {  	[tilespmem:s11], [sflag:$0x3] =	stream.linear.gather [hbm4b:s7+s3], $0x2800, $0x38;
	[tilespmem:$0x12E00] =	vst v63  }
0x15: {  	_ =	swait.ge [sflag:s10], $0x2800  }
0x16: {  	[sflag:s10] =	ssyncset.done $0x0  }
0x17: {  	[sflag:s10] =	ssyncadd.s32 $0xFFFFD800  }
0x18: {  	[spmem:s13], [sflag:s12] =	dma.local [hbm:s5], $0x13C0  }
0x19: {  	_ =	swait.ge [sflag:s10], $0x13C0  }
0x1a: {  	[sflag:s10] =	ssyncset.done $0x0  }
0x1b: {  	[sflag:s10] =	ssyncadd.s32 $0xFFFFEC40  }
0x1c: {  	[bflag:$0x0] =	sbarrier.arrive $0xFFFF  }
0x1d: {  	[tilespmem:s15], [sflag:$0x1] =	stream.indirect.gather [hbm4b:s4+s14], $0x40, s3, s14, $0xb8;
	[tilespmem:$0x12E00] =	vst v63  }
0x1e: {  	s23 =	simm.s32 $0x80  }
0x1f: {  	[tilespmem:s16], [sflag:$0x2] =	stream.indirect.gather [hbm4b:s4+s14], $0x40, s23, s14, $0xb8;
	[tilespmem:$0x12E00] =	vst v63  }
0x20: {  	_ =	swait.ge [sflag:s17], $0x2000  }
0x21: {  	[sflag:s17] =	ssyncset.done $0x0  }
0x22: {  	s29 =	simm.s32 $0x2800;
	[sflag:s17] =	ssyncadd.s32 $0xFFFFE000  }
0x23: {  	[spmem:s2] =	stream.indirect.scatter.add.f32 [tilespmem:s15], [sflag:$0x3], $0x40, s29, s14, $0xb8;
	[tilespmem:$0x12E00] =	vst v63  }
0x24: {  	_ =	swait.ge [sflag:s10], $0x2000  }
0x25: {  	[sflag:s10] =	ssyncset.done $0x0  }
0x26: {  	s30 =	simm.s32 $0x100;
	[sflag:s10] =	ssyncadd.s32 $0xFFFFE000  }
0x27: {  	[tilespmem:s15], [sflag:$0x1] =	stream.indirect.gather [hbm4b:s4+s14], $0x40, s30, s14, $0xb8;
	[tilespmem:$0x12E00] =	vst v63  }
0x28: {  	_ =	swait.ge [sflag:s18], $0x2000  }
0x29: {  	[sflag:s18] =	ssyncset.done $0x0  }
0x2a: {  	s31 =	simm.s32 $0x2880;
	[sflag:s18] =	ssyncadd.s32 $0xFFFFE000  }
0x2b: {  	[spmem:s2] =	stream.indirect.scatter.add.f32 [tilespmem:s16], [sflag:$0x3], $0x40, s31, s14, $0xb8;
	[tilespmem:$0x12E00] =	vst v63  }
0x2c: {  	_ =	swait.ge [sflag:s10], $0x2000  }
0x2d: {  	s24 =	simm.s32 $0x800;
	s23 =	simm.s32 $0x100;
	[sflag:s10] =	ssyncset.done $0x0  }
.LBB2_2:
0x2e: {  	s25 =	sadd.s32 $0x80, s23  }
0x2f: {  	[sflag:s10] =	ssyncadd.s32 $0xFFFFE000;
	s26 =	smov.u32 s24;
	s28 =	sadd.s32 $0x400, s24  }
0x30: {  	[tilespmem:s16], [sflag:$0x2] =	stream.indirect.gather [hbm4b:s4+s14], $0x40, s25, s14, $0xb8;
	[tilespmem:$0x12E00] =	vst v63  }
0x31: {  	p0 =	sne.s32 s24, $0x9800;
	_ =	swait.ge [sflag:s17], $0x2000  }
0x32: {  	[sflag:s17] =	ssyncset.done $0x0  }
0x33: {  	s24 =	sadd.s32 $0x2800, s23;
	[sflag:s17] =	ssyncadd.s32 $0xFFFFE000  }
0x34: {  	[spmem:s2] =	stream.indirect.scatter.add.f32 [tilespmem:s15], [sflag:$0x3], $0x40, s24, s14, $0xb8;
	[tilespmem:$0x12E00] =	vst v63  }
0x35: {  	_ =	swait.ge [sflag:s10], $0x2000  }
0x36: {  	[sflag:s10] =	ssyncset.done $0x0  }
0x37: {  	s24 =	sadd.s32 $0x100, s23;
	[sflag:s10] =	ssyncadd.s32 $0xFFFFE000  }
0x38: {  	[tilespmem:s15], [sflag:$0x1] =	stream.indirect.gather [hbm4b:s4+s14], $0x40, s24, s14, $0xb8;
	[tilespmem:$0x12E00] =	vst v63  }
0x39: {  	_ =	swait.ge [sflag:s18], $0x2000  }
.Ltmp0:
0x3a: {  	[sflag:s18] =	ssyncset.done $0x0;
	(pc) =	sbr.rel @p0 .LBB2_2-.Ltmp0, $4  }
0x3b: {  	s23 =	sadd.s32 $0x2880, s23;
	[sflag:s18] =	ssyncadd.s32 $0xFFFFE000  }
0x3c: {  	[spmem:s2] =	stream.indirect.scatter.add.f32 [tilespmem:s16], [sflag:$0x3], $0x40, s23, s14, $0xb8;
	[tilespmem:$0x12E00] =	vst v63  }
0x3d: {  	_ =	swait.ge [sflag:s10], $0x2000  }
0x3e: {  	s24 =	smov.u32 s28;
	s23 =	sshra.s32 s26, $0x2;
	[sflag:s10] =	ssyncset.done $0x0  }
0x3f: {  	s24 =	sadd.s32 $0x80, s23;
	[sflag:s10] =	ssyncadd.s32 $0xFFFFE000  }
0x40: {  	[tilespmem:s16], [sflag:$0x2] =	stream.indirect.gather [hbm4b:s4+s14], $0x40, s24, s14, $0xb8;
	[tilespmem:$0x12E00] =	vst v63  }
0x41: {  	_ =	swait.ge [sflag:s17], $0x2000  }
0x42: {  	[sflag:s17] =	ssyncset.done $0x0  }
0x43: {  	s29 =	sadd.s32 $0x2800, s23;
	[sflag:s17] =	ssyncadd.s32 $0xFFFFE000  }
0x44: {  	[spmem:s2] =	stream.indirect.scatter.add.f32 [tilespmem:s15], [sflag:$0x3], $0x40, s29, s14, $0xb8;
	[tilespmem:$0x12E00] =	vst v63  }
0x45: {  	_ =	swait.ge [sflag:s10], $0x2000  }
0x46: {  	[sflag:s10] =	ssyncset.done $0x0  }
0x47: {  	s30 =	sadd.s32 $0x100, s23;
	[sflag:s10] =	ssyncadd.s32 $0xFFFFE000  }
0x48: {  	[tilespmem:s15], [sflag:$0x1] =	stream.indirect.gather [hbm4b:s4+s14], $0x40, s30, s14, $0xb8;
	[tilespmem:$0x12E00] =	vst v63  }
0x49: {  	_ =	swait.ge [sflag:s18], $0x2000  }
0x4a: {  	[sflag:s18] =	ssyncset.done $0x0  }
0x4b: {  	s31 =	sadd.s32 $0x2880, s23;
	[sflag:s18] =	ssyncadd.s32 $0xFFFFE000  }
0x4c: {  	[spmem:s2] =	stream.indirect.scatter.add.f32 [tilespmem:s16], [sflag:$0x3], $0x40, s31, s14, $0xb8;
	[tilespmem:$0x12E00] =	vst v63  }
0x4d: {  	_ =	swait.ge [sflag:s10], $0x2000  }
0x4e: {  	[sflag:s10] =	ssyncset.done $0x0  }
0x4f: {  	[sflag:s10] =	ssyncadd.s32 $0xFFFFE000  }
0x50: {  	[tilespmem:s16], [sflag:$0x2] =	stream.indirect.gather [hbm4b:s4+s14], $0x40, s19, s14, $0xb8;
	[tilespmem:$0x12E00] =	vst v63  }
0x51: {  	_ =	swait.ge [sflag:s17], $0x2000  }
0x52: {  	[sflag:s17] =	ssyncset.done $0x0  }
0x53: {  	[sflag:s17] =	ssyncadd.s32 $0xFFFFE000  }
0x54: {  	[spmem:s2] =	stream.indirect.scatter.add.f32 [tilespmem:s15], [sflag:$0x3], $0x40, s20, s14, $0xb8;
	[tilespmem:$0x12E00] =	vst v63  }
0x55: {  	_ =	swait.ge [sflag:s10], $0x2000  }
0x56: {  	[sflag:s10] =	ssyncset.done $0x0  }
0x57: {  	[sflag:s10] =	ssyncadd.s32 $0xFFFFE000  }
0x58: {  	_ =	swait.ge [sflag:s18], $0x2000  }
0x59: {  	[sflag:s18] =	ssyncset.done $0x0  }
0x5a: {  	[sflag:s18] =	ssyncadd.s32 $0xFFFFE000  }
0x5b: {  	[spmem:s2] =	stream.indirect.scatter.add.f32 [tilespmem:s16], [sflag:$0x3], $0x40, s21, s14, $0xb8;
	[tilespmem:$0x12E00] =	vst v63  }
0x5c: {  	_ =	swait.ge [sflag:s10], $0x2000  }
0x5d: {  	s22 =	sadd.s32 $0x1, s22;
	[sflag:s10] =	ssyncset.done $0x0  }
0x5e: {  	p0 =	sne.s32 s22, s9;
	[sflag:s10] =	ssyncadd.s32 $0xFFFFE000  }
.Ltmp1:
0x5f: {  	[bflag:$0x0] =	sbarrier.arrive $0xFFFF;
	(pc) =	sbr.rel @p0 .LBB2_1-.Ltmp1, $4  }
0x60: {  	[hbm:s8], [sflag:s12] =	dma.local [spmem:s13], $0x13C0  }
0x61: {  	_ =	swait.ge [sflag:s10], $0x13C0  }
0x62: {  	[sflag:s10] =	ssyncset.done $0x0  }
0x63: {  	[sflag:s10] =	ssyncadd.s32 $0xFFFFEC40  }
0x64: {  	_ =	sfence.sel $0x180000  }
0x65: {  	[bflag:$0x0] =	sbarrier.arrive $0xFFFF  }
0x66: {  	p0 =	sne.s32 s0, $0x0;
	_ =	strace $0x9000004D  }
0x67: {  	s0 =	sadd.s32 @!p0 $0x100000, s1;
	[bflag:$0x2] =	sbarrier.arrive $0xFFFF  }
0x68: {  	[sflag:s0] =	ssyncadd.tile.s32 @!p0 $0x1;
	_ =	shalt  }
.Lfunc_end2:
_tile_overlayer_lowered:
.L_overlay_start_2:
0x69: {  	(tag) =	ssettag $0x2  }
0x6a: {  	s0 =	rddreg [dreg:$0x0];
	s2 =	stileid.u32  }
0x6b: {  	s1 =	rddreg [dreg:$0x1];
	p0 =	sne.s32 s2, $0x0  }
0x6c: {  	s3 =	rddreg [dreg:$0x2];
	[bflag:$0x3] =	sbarrier.arrive $0xFFFF;
	s2 =	simm.s32 @!p0 $0x1C03  }
0x6d: {  	[timem:s3], [sflag:s2] =	dma.local @!p0 [hbm:s0], s1  }
0x6e: {  	s0 =	simm.s32 @!p0 $0x3  }
0x6f: {  	_ =	swait.ge @!p0 [sflag:s0], s1  }
0x70: {  	s1 =	ssub.s32 @!p0 $0x0, s1;
	[sflag:s0] =	ssyncset.done @!p0 $0x0  }
0x71: {  	[sflag:s0] =	ssyncadd.s32 @!p0 s1  }
0x72: {  	[bflag:$0x3] =	sbarrier.arrive $0xFFFF  }
0x73: {  	_ =	shalt  }

// kernel: kernel.9.cloned.1.call-start
scs
__scs_entry_jumppad:
0x0: {  	(pc) =	sbr.rel $0x88, $3  }
0x1: {  	(tag) =	ssettag $0x0;
	lr =	simm.s32 $0x1  }
0x2: {  	[smem:$0x3F91] =	sst lr;
	_ =	strace $0xD0000000  }
0x3: {  	_ = 	snop  }
0x4: {  	_ = 	snop  }
0x5: {  	_ = 	snop  }
0x6: {  	_ = 	snop  }
0x7: {  	_ = 	snop  }
__scs_overlays_trampoline_lowered:
0x8: {  	[smem:$0x3FA0] =	sst s0  }
0x9: {  	[smem:$0x3FA1] =	sst s1  }
0xa: {  	[smem:$0x3FA2] =	sst s2  }
0xb: {  	[smem:$0x3FA3] =	sst s3  }
0xc: {  	[smem:$0x3FA4] =	sst s4  }
0xd: {  	[smem:$0x3FA5] =	sst s5  }
0xe: {  	[smem:$0x3FA6] =	sst s6  }
0xf: {  	[smem:$0x3FA7] =	sst s7  }
0x10: {  	[smem:$0x3FA8] =	sst s8  }
0x11: {  	[smem:$0x3FA9] =	sst s9;
	s0 =	simm.s32 @!p0 $0x0  }
0x12: {  	s1 =	sld [smem:$0x3F8F];
	s0 =	simm.s32 @p0 $0x1  }
0x13: {  	[smem:$0x3FAA] =	sst s0;
	s0 =	simm.s32 @!p1 $0x0  }
0x14: {  	s2 =	sld [smem:$0x3F8E];
	s0 =	simm.s32 @p1 $0x1  }
0x15: {  	[smem:$0x3FAB] =	sst s0;
	s0 =	simm.s32 @!p2 $0x0  }
0x16: {  	s3 =	sld [smem:$0x3FDB];
	s0 =	simm.s32 @p2 $0x1  }
0x17: {  	s4 =	simm.s32 $0x1BF5;
	[smem:$0x3FAD] =	sst s0  }
0x18: {  	s0 =	sld [smem:$0x3F90];
	_ =	swait.ge [sflag:s4], $0x0  }
0x19: {  	s7 =	sld [smem:$0x3F91]  }
0x1a: {  	s8 =	sadd.s32 $0xFFFFE003, lr  }
0x1b: {  	s9 =	sadd.s32 $0xFFFFFEF7, lr;
	s5 =	simm.s32 $0xFFFFFFFF;
	p2 =	slt.u32 s8, $0xFFFFF086  }
0x1c: {  	p1 =	slt.u32 s9, $0xF7A;
	s5 =	simm.s32 @!p2 $0x0  }
0x1d: {  	s5 =	simm.s32 @p1 $0x1;
	p0 =	seq.s32 s7, s2  }
0x1e: {  	s7 =	smul.u32 @!p0 $0xF7A, s2;
	p2 =	seq.s32 @!p0 s5, $0x0  }
0x1f: {  	s9 =	smul.u32 $0xF7A, s1;
	s8 =	simm.s32 @!p0 $0x1BF5;
	p2 =	por !p2, p0  }
0x20: {  	[sflag:s8] =	ssyncset.s32 @!p0 $0xFFFFF086;
	s6 =	sadd.s32 @!p0 s3, s7;
	s7 =	simm.s32 @!p0 $0x108  }
0x21: {  	s3 =	sadd.s32 s3, s9;
	s6 =	sadd.s32 @!p0 $0x88, s6;
	s7 =	simm.s32 @p2 $0x1082  }
0x22: {  	[simem:s7], [sflag:s8] =	dma.local @!p0 [hbm:s6], $0xF7A  }
0x23: {  	s9 =	sor.u32 $0xD0000000, s2;
	s6 =	simm.s32 $0x108;
	_ =	swait.ge @!p0 [sflag:s8], $0x0  }
0x24: {  	s3 =	sadd.s32 $0x88, s3;
	s6 =	simm.s32 @!p1 $0x1082;
	[sflag:s4] =	ssyncset.s32 $0xFFFFF086  }
0x25: {  	[simem:s6], [sflag:s4] =	dma.local [hbm:s3], $0xF7A  }
0x26: {  	[smem:$0x3F91] =	sst s1;
	(tag) =	ssettag s2;
	_ =	strace s9  }
0x27: {  	s1 =	sld [smem:$0x3FA1]  }
0x28: {  	s2 =	sld [smem:$0x3FA2]  }
0x29: {  	s4 =	sld [smem:$0x3FA4]  }
0x2a: {  	p0 =	seq.s32 s5, $0x0;
	s5 =	sld [smem:$0x3FA5]  }
0x2b: {  	s6 =	sld [smem:$0x3FA6]  }
0x2c: {  	s7 =	sld [smem:$0x3FA7]  }
0x2d: {  	s3 =	simm.s32 $0x108;
	s8 =	sld [smem:$0x3FA8]  }
0x2e: {  	s3 =	simm.s32 @!p0 $0x1082;
	s9 =	sld [smem:$0x3FA9]  }
0x2f: {  	lr =	sadd.s32 s0, s3;
	s0 =	sld [smem:$0x3FA0]  }
0x30: {  	s3 =	sld [smem:$0x3FA3]  }
0x31: {  	[smem:$0x3FAC] =	sst s10  }
0x32: {  	s10 =	sld [smem:$0x3FAA];
	_ =	sdelay $0x3  }
0x33: {  	p0 =	seq.s32 s10, $0x1;
	s10 =	sld [smem:$0x3FAC];
	_ =	sdelay $0x3  }
0x34: {  	[smem:$0x3FAC] =	sst s10  }
0x35: {  	s10 =	sld [smem:$0x3FAB];
	_ =	sdelay $0x3  }
0x36: {  	p1 =	seq.s32 s10, $0x1;
	s10 =	sld [smem:$0x3FAC];
	_ =	sdelay $0x3  }
0x37: {  	[smem:$0x3FAC] =	sst s10  }
0x38: {  	s10 =	sld [smem:$0x3FAD]  }
0x39: {  	_ = 	snop;
	(pc) =	sbr.ind lr, $3  }
0x3a: {  	_ = 	snop  }
0x3b: {  	_ = 	snop  }
0x3c: {  	p2 =	seq.s32 s10, $0x1;
	s10 =	sld [smem:$0x3FAC]  }
0x3d: {  	_ =	shalt  }
0x3e: {  	_ =	shalt  }
0x3f: {  	_ =	shalt  }
0x40: {  	_ =	shalt  }
0x41: {  	_ =	shalt  }
0x42: {  	_ =	shalt  }
0x43: {  	_ =	shalt  }
0x44: {  	_ =	shalt  }
0x45: {  	_ =	shalt  }
0x46: {  	_ =	shalt  }
0x47: {  	_ =	shalt  }
0x48: {  	_ =	shalt  }
0x49: {  	_ =	shalt  }
0x4a: {  	_ =	shalt  }
0x4b: {  	_ =	shalt  }
0x4c: {  	_ =	shalt  }
0x4d: {  	_ =	shalt  }
0x4e: {  	_ =	shalt  }
0x4f: {  	_ =	shalt  }
0x50: {  	_ =	shalt  }
0x51: {  	_ =	shalt  }
0x52: {  	_ =	shalt  }
0x53: {  	_ =	shalt  }
0x54: {  	_ =	shalt  }
0x55: {  	_ =	shalt  }
0x56: {  	_ =	shalt  }
0x57: {  	_ =	shalt  }
0x58: {  	_ =	shalt  }
0x59: {  	_ =	shalt  }
0x5a: {  	_ =	shalt  }
0x5b: {  	_ =	shalt  }
0x5c: {  	_ =	shalt  }
0x5d: {  	_ =	shalt  }
0x5e: {  	_ =	shalt  }
0x5f: {  	_ =	shalt  }
0x60: {  	_ =	shalt  }
0x61: {  	_ =	shalt  }
0x62: {  	_ =	shalt  }
0x63: {  	_ =	shalt  }
0x64: {  	_ =	shalt  }
0x65: {  	_ =	shalt  }
0x66: {  	_ =	shalt  }
0x67: {  	_ =	shalt  }
0x68: {  	_ =	shalt  }
0x69: {  	_ =	shalt  }
0x6a: {  	_ =	shalt  }
0x6b: {  	_ =	shalt  }
0x6c: {  	_ =	shalt  }
0x6d: {  	_ =	shalt  }
0x6e: {  	_ =	shalt  }
0x6f: {  	_ =	shalt  }
0x70: {  	_ =	shalt  }
0x71: {  	_ =	shalt  }
0x72: {  	_ =	shalt  }
0x73: {  	_ =	shalt  }
0x74: {  	_ =	shalt  }
0x75: {  	_ =	shalt  }
0x76: {  	_ =	shalt  }
0x77: {  	_ =	shalt  }
0x78: {  	_ =	shalt  }
0x79: {  	_ =	shalt  }
0x7a: {  	_ =	shalt  }
0x7b: {  	_ =	shalt  }
0x7c: {  	_ =	shalt  }
0x7d: {  	_ =	shalt  }
0x7e: {  	_ =	shalt  }
0x7f: {  	_ =	shalt  }
0x80: {  	_ =	shalt  }
0x81: {  	_ =	shalt  }
0x82: {  	_ =	shalt  }
0x83: {  	_ =	shalt  }
0x84: {  	_ =	shalt  }
0x85: {  	_ =	shalt  }
0x86: {  	_ =	shalt  }
0x87: {  	_ =	shalt  }
.Lfunc_end0:
.L_simem_size_0:
called_computation_lowered:
.L_overlay_start_0:
0x88: {  	s2 =	sld [smem:$0x3FD9]  }
0x89: {  	s3 =	sld [smem:$0x3FFE];
	_ =	sdelay $0x1  }
0x8a: {  	s1 =	srdreg.scid  }
0x8b: {  	s0 =	sand.u32 $0x1, s1  }
0x8c: {  	s16 =	sshll.u32 s0, $0xA;
	s2 =	sadd.s32 s3, s2  }
0x8d: {  	s2 =	sadd.s32 s2, s16  }
0x8e: {  	[smem:$0x3FB8] =	sst s2  }
0x8f: {  	_ = 	snop  }
0x90: {  	(tm) =	ssettm $0x1  }
0x91: {  	s17 =	sld [smem:$0x3FFB];
	_ =	sdelay $0x3  }
0x92: {  	_ =	strace s17  }
0x93: {  	s2 =	sld [smem:$0x3FFC];
	_ =	sdelay $0x3  }
0x94: {  	_ =	strace s2  }
0x95: {  	s2 =	sld [smem:$0x3FFD];
	_ =	sdelay $0x3  }
0x96: {  	_ =	strace s2  }
0x97: {  	_ =	strace $0x8FFFFFFF  }
0x98: {  	s18 =	sld [smem:$0x3FDB];
	_ =	sdelay $0x1  }
0x99: {  	s19 =	simm.s32 $_scs_section_size  }
0x9a: {  	s4 =	simm.s32 $_size__tile_overlayer_lowered;
	s5 =	simm.s32 $_tile_overlayer_lowered  }
0x9b: {  	s22 =	simm.s32 $0x1BFF;
	s21 =	sshll.u32 s5, $0x1;
	s2 =	sadd.s32 s19, s18  }
0x9c: {  	s6 =	simm.s32 $0x0;
	s20 =	sshll.u32 s4, $0x1;
	s4 =	sadd.s32 s21, s2  }
0x9d: {  	[timem:s6], [sflag:s22] =	dma.local [hbm:s4], s20  }
0x9e: {  	_ =	swait.ge [sflag:s22], s20  }
0x9f: {  	s3 =	ssub.s32 $0x0, s20;
	[sflag:s22] =	ssyncset.done $0x0  }
0xa0: {  	[sflag:s22] =	ssyncadd.s32 s3;
	_ =	sdelay $0x1  }
0xa1: {  	s23 =	simm.s32 $0x1B8B  }
0xa2: {  	_ =	swait.ge [sflag:s23], $0x1  }
0xa3: {  	[sflag:s23] =	ssyncset.done $0x0  }
0xa4: {  	s25 =	simm.s32 $0x1B8E;
	s24 =	sld [smem:$0x3FFE];
	[sflag:s23] =	ssyncadd.s32 $0xFFFFFFFF  }
0xa5: {  	s26 =	simm.s32 $execute0_lowered;
	[smem:$0x3FD2] =	sst s25  }
0xa6: {  	s4 =	sshll.u32 s26, $0x1;
	_ =	strace $0x80000046;
	[dreg:$0x1] =	wrdreg $0xFFFFFFFF  }
0xa7: {  	s28 =	simm.s32 $_size_execute0_lowered;
	s2 =	sadd.s32 s2, s4;
	[dreg:$0x0] =	wrdreg $0x0  }
0xa8: {  	s4 =	sshll.u32 s28, $0x1;
	[dreg:$0x2] =	wrdreg s2  }
0xa9: {  	[dreg:$0x3] =	wrdreg s4  }
0xaa: {  	[dreg:$0x4] =	wrdreg $0xC0  }
0xab: {  	_ =	task [dreg:s6], $0x5FFFF  }
0xac: {  	[dreg:$0x1] =	wrdreg $0xFFFFFFFF  }
0xad: {  	[dreg:$0x0] =	wrdreg $0x60  }
0xae: {  	[dreg:$0x2] =	wrdreg s24  }
0xaf: {  	[dreg:$0x3] =	wrdreg $0x90000  }
0xb0: {  	[dreg:$0x4] =	wrdreg $0x9  }
0xb1: {  	_ =	task.clear_ibuf [dreg:s6], $0x5FFFF;
	_ =	strace $0x90000046  }
0xb2: {  	s29 =	simm.s32 $0x9;
	_ =	strace $0x80000048  }
0xb3: {  	_ =	swait.ge [sflag:s29], $0x1  }
0xb4: {  	[sflag:s29] =	ssyncadd.s32 $0xFFFFFFFF  }
0xb5: {  	_ =	strace $0x90000048  }
0xb6: {  	_ =	sfence  }
0xb7: {  	s30 =	sld [smem:$0x0];
	_ =	sdelay $0x2  }
0xb8: {  	s31 =	sshll.u32 s1, $0xD;
	s1 =	sshrl.u32 s1, $0x2  }
0xb9: {  	s3 =	sand.u32 $0x4000, s31;
	s1 =	sadd.s32 s1, s30  }
0xba: {  	s0 =	sor.u32 s3, s0;
	s1 =	sshll.u32 s1, $0x11  }
0xbb: {  	s0 =	sor.u32 s1, s0  }
0xbc: {  	s0 =	sadd.s32 $0x8F2B, s0  }
0xbd: {  	[sflag:s0] =	ssyncadd.remote.s32 $0x1  }
0xbe: {  	_ =	sfence.sel $0xFFFF  }
0xbf: {  	[dreg:$0x0] =	wrdreg $0xFFFFFFFF;
	(pc) =	sbr.abs _section_cstart, $3  }
0xc0: {  	[dreg:$0x1] =	wrdreg $0xFFFFFFFF  }
0xc1: {  	_ =	task.clear_ibuf [dreg:s6], $0x2FFFF;
	_ =	strace $0x9FFFFFFF  }
0xc2: {  	(tm) =	ssettm $0x7FFFFFFF  }
0xc3: {  	_ =	shalt  }
tec
execute0_lowered:
.L_overlay_start_1:
0x0: {  	(tag) =	ssettag $0x1  }
0x1: {  	s6 =	rddreg [dreg:$0x0]  }
0x2: {  	s0 =	srdreg.scid;
	s2 =	rddreg [dreg:$0x1];
	s3 =	simm.s32 $0x0  }
0x3: {  	s11 =	simm.s32 $0x2800;
	s14 =	simm.s32 $0x80;
	s15 =	simm.s32 $0x5000  }
0x4: {  	s16 =	simm.s32 $0x7000;
	s17 =	simm.s32 $0x1;
	s18 =	simm.s32 $0x2  }
0x5: {  	s19 =	simm.s32 $0x2780;
	s20 =	simm.s32 $0x4F00;
	s21 =	simm.s32 $0x4F80  }
0x6: {  	s22 =	simm.s32 $0x0;
	s5 =	sand.u32 $0x1, s0;
	s0 =	stileid.u32  }
0x7: {  	[smem:$0x7FF] =	sst s3;
	s4 =	sadd.s32 $0x2200, s6;
	s8 =	smul.u32 $0x13C0, s0  }
0x8: {  	s1 =	sshll.u32 s5, $0x4;
	s9 =	smul.u32 $0x13C00, s5;
	s30 =	ssub.s32 $0x2, s5  }
0x9: {  	s10 =	smul.u32 $0x27800, s0;
	s5 =	sadd.s32 $0x29C00, s6;
	s12 =	sshll.u32 s0, $0x6  }
0xa: {  	s1 =	sor.u32 s0, s1;
	s31 =	sshrl.u32 s30, $0x1;
	s12 =	sor.u32 $0x1C03, s12  }
0xb: {  	s7 =	smul.u32 $0x500, s1;
	s1 =	rddreg [dreg:$0x2];
	_ =	strace $0x80000047  }
0xc: {  	s8 =	sadd.s32 s8, s9;
	s9 =	ssub.s32 s30, s31;
	s10 =	sshrl.u32 s10, $0x2  }
0xd: {  	s8 =	sadd.s32 s8, s6;
	s13 =	sadd.s32 s10, s2;
	s9 =	smax.u32 s9, $0x1  }
0xe: {  	s10 =	simm.s32 $0x3;
	s7 =	sadd.s32 s7, s6;
	s8 =	sadd.s32 $0x2B000, s8  }
0xf: {  	s13 =	sshrl.u32 s13, $0x3;
	s6 =	sadd.s32 $0x1FC00, s7;
	s7 =	sadd.s32 $0x15C00, s7  }
.LBB2_1:
0x10: {  	[tilespmem:s3], [sflag:$0x3] =	stream.linear.gather [hbm4b:s6+s3], $0x2800, $0x38;
	[tilespmem:$0x12E00] =	vst v63  }
0x11: {  	_ =	swait.ge [sflag:s10], $0x2800  }
0x12: {  	[sflag:s10] =	ssyncset.done $0x0  }
0x13: {  	[sflag:s10] =	ssyncadd.s32 $0xFFFFD800  }
0x14: {  	[tilespmem:s11], [sflag:$0x3] =	stream.linear.gather [hbm4b:s7+s3], $0x2800, $0x38;
	[tilespmem:$0x12E00] =	vst v63  }
0x15: {  	_ =	swait.ge [sflag:s10], $0x2800  }
0x16: {  	[sflag:s10] =	ssyncset.done $0x0  }
0x17: {  	[sflag:s10] =	ssyncadd.s32 $0xFFFFD800  }
0x18: {  	[spmem:s13], [sflag:s12] =	dma.local [hbm:s5], $0x13C0  }
0x19: {  	_ =	swait.ge [sflag:s10], $0x13C0  }
0x1a: {  	[sflag:s10] =	ssyncset.done $0x0  }
0x1b: {  	[sflag:s10] =	ssyncadd.s32 $0xFFFFEC40  }
0x1c: {  	[bflag:$0x0] =	sbarrier.arrive $0xFFFF  }
0x1d: {  	[tilespmem:s15], [sflag:$0x1] =	stream.indirect.gather [hbm4b:s4+s14], $0x40, s3, s14, $0xb8;
	[tilespmem:$0x12E00] =	vst v63  }
0x1e: {  	s23 =	simm.s32 $0x80  }
0x1f: {  	[tilespmem:s16], [sflag:$0x2] =	stream.indirect.gather [hbm4b:s4+s14], $0x40, s23, s14, $0xb8;
	[tilespmem:$0x12E00] =	vst v63  }
0x20: {  	_ =	swait.ge [sflag:s17], $0x2000  }
0x21: {  	[sflag:s17] =	ssyncset.done $0x0  }
0x22: {  	s29 =	simm.s32 $0x2800;
	[sflag:s17] =	ssyncadd.s32 $0xFFFFE000  }
0x23: {  	[spmem:s2] =	stream.indirect.scatter.add.f32 [tilespmem:s15], [sflag:$0x3], $0x40, s29, s14, $0xb8;
	[tilespmem:$0x12E00] =	vst v63  }
0x24: {  	_ =	swait.ge [sflag:s10], $0x2000  }
0x25: {  	[sflag:s10] =	ssyncset.done $0x0  }
0x26: {  	s30 =	simm.s32 $0x100;
	[sflag:s10] =	ssyncadd.s32 $0xFFFFE000  }
0x27: {  	[tilespmem:s15], [sflag:$0x1] =	stream.indirect.gather [hbm4b:s4+s14], $0x40, s30, s14, $0xb8;
	[tilespmem:$0x12E00] =	vst v63  }
0x28: {  	_ =	swait.ge [sflag:s18], $0x2000  }
0x29: {  	[sflag:s18] =	ssyncset.done $0x0  }
0x2a: {  	s31 =	simm.s32 $0x2880;
	[sflag:s18] =	ssyncadd.s32 $0xFFFFE000  }
0x2b: {  	[spmem:s2] =	stream.indirect.scatter.add.f32 [tilespmem:s16], [sflag:$0x3], $0x40, s31, s14, $0xb8;
	[tilespmem:$0x12E00] =	vst v63  }
0x2c: {  	_ =	swait.ge [sflag:s10], $0x2000  }
0x2d: {  	s24 =	simm.s32 $0x800;
	s23 =	simm.s32 $0x100;
	[sflag:s10] =	ssyncset.done $0x0  }
.LBB2_2:
0x2e: {  	s25 =	sadd.s32 $0x80, s23  }
0x2f: {  	[sflag:s10] =	ssyncadd.s32 $0xFFFFE000;
	s26 =	smov.u32 s24;
	s28 =	sadd.s32 $0x400, s24  }
0x30: {  	[tilespmem:s16], [sflag:$0x2] =	stream.indirect.gather [hbm4b:s4+s14], $0x40, s25, s14, $0xb8;
	[tilespmem:$0x12E00] =	vst v63  }
0x31: {  	p0 =	sne.s32 s24, $0x9800;
	_ =	swait.ge [sflag:s17], $0x2000  }
0x32: {  	[sflag:s17] =	ssyncset.done $0x0  }
0x33: {  	s24 =	sadd.s32 $0x2800, s23;
	[sflag:s17] =	ssyncadd.s32 $0xFFFFE000  }
0x34: {  	[spmem:s2] =	stream.indirect.scatter.add.f32 [tilespmem:s15], [sflag:$0x3], $0x40, s24, s14, $0xb8;
	[tilespmem:$0x12E00] =	vst v63  }
0x35: {  	_ =	swait.ge [sflag:s10], $0x2000  }
0x36: {  	[sflag:s10] =	ssyncset.done $0x0  }
0x37: {  	s24 =	sadd.s32 $0x100, s23;
	[sflag:s10] =	ssyncadd.s32 $0xFFFFE000  }
0x38: {  	[tilespmem:s15], [sflag:$0x1] =	stream.indirect.gather [hbm4b:s4+s14], $0x40, s24, s14, $0xb8;
	[tilespmem:$0x12E00] =	vst v63  }
0x39: {  	_ =	swait.ge [sflag:s18], $0x2000  }
.Ltmp0:
0x3a: {  	[sflag:s18] =	ssyncset.done $0x0;
	(pc) =	sbr.rel @p0 .LBB2_2-.Ltmp0, $4  }
0x3b: {  	s23 =	sadd.s32 $0x2880, s23;
	[sflag:s18] =	ssyncadd.s32 $0xFFFFE000  }
0x3c: {  	[spmem:s2] =	stream.indirect.scatter.add.f32 [tilespmem:s16], [sflag:$0x3], $0x40, s23, s14, $0xb8;
	[tilespmem:$0x12E00] =	vst v63  }
0x3d: {  	_ =	swait.ge [sflag:s10], $0x2000  }
0x3e: {  	s24 =	smov.u32 s28;
	s23 =	sshra.s32 s26, $0x2;
	[sflag:s10] =	ssyncset.done $0x0  }
0x3f: {  	s24 =	sadd.s32 $0x80, s23;
	[sflag:s10] =	ssyncadd.s32 $0xFFFFE000  }
0x40: {  	[tilespmem:s16], [sflag:$0x2] =	stream.indirect.gather [hbm4b:s4+s14], $0x40, s24, s14, $0xb8;
	[tilespmem:$0x12E00] =	vst v63  }
0x41: {  	_ =	swait.ge [sflag:s17], $0x2000  }
0x42: {  	[sflag:s17] =	ssyncset.done $0x0  }
0x43: {  	s29 =	sadd.s32 $0x2800, s23;
	[sflag:s17] =	ssyncadd.s32 $0xFFFFE000  }
0x44: {  	[spmem:s2] =	stream.indirect.scatter.add.f32 [tilespmem:s15], [sflag:$0x3], $0x40, s29, s14, $0xb8;
	[tilespmem:$0x12E00] =	vst v63  }
0x45: {  	_ =	swait.ge [sflag:s10], $0x2000  }
0x46: {  	[sflag:s10] =	ssyncset.done $0x0  }
0x47: {  	s30 =	sadd.s32 $0x100, s23;
	[sflag:s10] =	ssyncadd.s32 $0xFFFFE000  }
0x48: {  	[tilespmem:s15], [sflag:$0x1] =	stream.indirect.gather [hbm4b:s4+s14], $0x40, s30, s14, $0xb8;
	[tilespmem:$0x12E00] =	vst v63  }
0x49: {  	_ =	swait.ge [sflag:s18], $0x2000  }
0x4a: {  	[sflag:s18] =	ssyncset.done $0x0  }
0x4b: {  	s31 =	sadd.s32 $0x2880, s23;
	[sflag:s18] =	ssyncadd.s32 $0xFFFFE000  }
0x4c: {  	[spmem:s2] =	stream.indirect.scatter.add.f32 [tilespmem:s16], [sflag:$0x3], $0x40, s31, s14, $0xb8;
	[tilespmem:$0x12E00] =	vst v63  }
0x4d: {  	_ =	swait.ge [sflag:s10], $0x2000  }
0x4e: {  	[sflag:s10] =	ssyncset.done $0x0  }
0x4f: {  	[sflag:s10] =	ssyncadd.s32 $0xFFFFE000  }
0x50: {  	[tilespmem:s16], [sflag:$0x2] =	stream.indirect.gather [hbm4b:s4+s14], $0x40, s19, s14, $0xb8;
	[tilespmem:$0x12E00] =	vst v63  }
0x51: {  	_ =	swait.ge [sflag:s17], $0x2000  }
0x52: {  	[sflag:s17] =	ssyncset.done $0x0  }
0x53: {  	[sflag:s17] =	ssyncadd.s32 $0xFFFFE000  }
0x54: {  	[spmem:s2] =	stream.indirect.scatter.add.f32 [tilespmem:s15], [sflag:$0x3], $0x40, s20, s14, $0xb8;
	[tilespmem:$0x12E00] =	vst v63  }
0x55: {  	_ =	swait.ge [sflag:s10], $0x2000  }
0x56: {  	[sflag:s10] =	ssyncset.done $0x0  }
0x57: {  	[sflag:s10] =	ssyncadd.s32 $0xFFFFE000  }
0x58: {  	_ =	swait.ge [sflag:s18], $0x2000  }
0x59: {  	[sflag:s18] =	ssyncset.done $0x0  }
0x5a: {  	[sflag:s18] =	ssyncadd.s32 $0xFFFFE000  }
0x5b: {  	[spmem:s2] =	stream.indirect.scatter.add.f32 [tilespmem:s16], [sflag:$0x3], $0x40, s21, s14, $0xb8;
	[tilespmem:$0x12E00] =	vst v63  }
0x5c: {  	_ =	swait.ge [sflag:s10], $0x2000  }
0x5d: {  	s22 =	sadd.s32 $0x1, s22;
	[sflag:s10] =	ssyncset.done $0x0  }
0x5e: {  	p0 =	sne.s32 s22, s9;
	[sflag:s10] =	ssyncadd.s32 $0xFFFFE000  }
.Ltmp1:
0x5f: {  	[bflag:$0x0] =	sbarrier.arrive $0xFFFF;
	(pc) =	sbr.rel @p0 .LBB2_1-.Ltmp1, $4  }
0x60: {  	[hbm:s8], [sflag:s12] =	dma.local [spmem:s13], $0x13C0  }
0x61: {  	_ =	swait.ge [sflag:s10], $0x13C0  }
0x62: {  	[sflag:s10] =	ssyncset.done $0x0  }
0x63: {  	[sflag:s10] =	ssyncadd.s32 $0xFFFFEC40  }
0x64: {  	_ =	sfence.sel $0x180000  }
0x65: {  	[bflag:$0x0] =	sbarrier.arrive $0xFFFF  }
0x66: {  	p0 =	sne.s32 s0, $0x0;
	_ =	strace $0x90000047  }
0x67: {  	s0 =	sadd.s32 @!p0 $0x100000, s1;
	[bflag:$0x2] =	sbarrier.arrive $0xFFFF  }
0x68: {  	[sflag:s0] =	ssyncadd.tile.s32 @!p0 $0x1;
	_ =	shalt  }
.Lfunc_end2:
_tile_overlayer_lowered:
.L_overlay_start_2:
0x69: {  	(tag) =	ssettag $0x2  }
0x6a: {  	s0 =	rddreg [dreg:$0x0];
	s2 =	stileid.u32  }
0x6b: {  	s1 =	rddreg [dreg:$0x1];
	p0 =	sne.s32 s2, $0x0  }
0x6c: {  	s3 =	rddreg [dreg:$0x2];
	[bflag:$0x3] =	sbarrier.arrive $0xFFFF;
	s2 =	simm.s32 @!p0 $0x1C03  }
0x6d: {  	[timem:s3], [sflag:s2] =	dma.local @!p0 [hbm:s0], s1  }
0x6e: {  	s0 =	simm.s32 @!p0 $0x3  }
0x6f: {  	_ =	swait.ge @!p0 [sflag:s0], s1  }
0x70: {  	s1 =	ssub.s32 @!p0 $0x0, s1;
	[sflag:s0] =	ssyncset.done @!p0 $0x0  }
0x71: {  	[sflag:s0] =	ssyncadd.s32 @!p0 s1  }
0x72: {  	[bflag:$0x3] =	sbarrier.arrive $0xFFFF  }
0x73: {  	_ =	shalt  }

</sc_bundles>
